<compile_context>
chip_gen: v7x
topology: tpu7x:2x2x1
jax: 0.10.2.dev20260603
libtpu: 0.0.44.dev20260713+nightly
codegen_flags: <defaults>
</compile_context>

<pallas_src>
import functools

import jax
import jax.numpy as jnp
from jax import lax
from jax.experimental import pallas as pl
from jax.experimental.pallas import tpu as pltpu
from jax.experimental.pallas import tpu_sc as plsc

NC = 2
NS = 16
CH = 128
GB = 2
SB = 2
DP = 160


def _matmul_kernel(x_ref, w_ref, b_ref, o_ref):
    h = (jnp.dot(x_ref[...], w_ref[...], preferred_element_type=jnp.float32)
         + b_ref[...])
    bn = h.shape[0]
    o_ref[...] = jnp.concatenate(
        [h, jnp.ones((bn, DP - h.shape[1]), jnp.float32)],
        axis=-1).astype(jnp.bfloat16)


def _finalize_kernel(a_ref, o_ref):
    a = a_ref[0].astype(jnp.float32) + a_ref[1].astype(jnp.float32)
    deg = jnp.maximum(a[:, 128:129], 1.0)
    o_ref[...] = jnp.maximum(a[:, :128] / deg, 0.0)


def _make_sc_agg(n_pad, tch, nch0, nch1, rem):
    rpt = n_pad // (NS * CH)
    nmx = max(nch0, nch1 + 1)

    mesh = plsc.VectorSubcoreMesh(core_axis_name="c", subcore_axis_name="s")

    @functools.partial(
        pl.kernel,
        mesh=mesh,
        compiler_params=pltpu.CompilerParams(use_tc_tiling_on_sc=False),
        out_type=jax.ShapeDtypeStruct((NC, n_pad, DP), jnp.bfloat16),
        scratch_types=[
            pltpu.VMEM((nmx * CH,), jnp.int32),
            pltpu.VMEM((nmx * CH,), jnp.int32),
            pltpu.VMEM((2, GB * CH, DP), jnp.bfloat16),
            pltpu.VMEM_SHARED((n_pad, DP), jnp.bfloat16),
            pltpu.SemaphoreType.DMA,
            pltpu.SemaphoreType.DMA,
        ],
    )
    def sc_agg(h_hbm, src_hbm, dst_hbm, zrow_hbm,
               agg_out, src_v, dst_v, rows_v, acc_sh, sema, semb):
        c = lax.axis_index("c")
        s = lax.axis_index("s")

        def zbody(i, carry):
            r0 = (s * rpt + i) * CH
            pltpu.sync_copy(zrow_hbm, acc_sh.at[pl.ds(r0, CH)])
            return carry

        lax.fori_loop(0, rpt, zbody, 0)

        base = jnp.where(c == 0,
                         s * nch0,
                         NS * nch0 + s * nch1 + jnp.minimum(s, rem))
        mych = jnp.where(c == 0, nch0, nch1 + (s < rem).astype(jnp.int32))
        base2 = jnp.minimum(base, tch - nmx)
        off = base - base2
        pltpu.sync_copy(src_hbm.at[pl.ds(base2 * CH, nmx * CH)], src_v)
        pltpu.sync_copy(dst_hbm.at[pl.ds(base2 * CH, nmx * CH)], dst_v)
        plsc.subcore_barrier()

        ngrp = mych // GB

        def fire(g, b, sem):
            pltpu.async_copy(
                h_hbm.at[src_v.at[pl.ds((off + g * GB) * CH, GB * CH)]],
                rows_v.at[b], sem)

        def drain(g, b, sem):
            pltpu.make_async_copy(
                h_hbm.at[src_v.at[pl.ds((off + g * GB) * CH, GB * CH)]],
                rows_v.at[b], sem).wait()

        def scat(g, b):
            j = off + g * GB
            for i in range(GB // SB):
                pltpu.sync_copy(
                    rows_v.at[b].at[pl.ds(i * SB * CH, SB * CH)],
                    acc_sh.at[dst_v.at[pl.ds((j + i * SB) * CH, SB * CH)]],
                    add=True)

        def ebody(t, carry):
            g0 = 2 * t
            g1 = 2 * t + 1

            @pl.when(g1 < ngrp)
            def _():
                fire(g1, 1, semb)

            drain(g0, 0, sema)
            scat(g0, 0)

            @pl.when(g1 < ngrp)
            def _():
                @pl.when(g1 + 1 < ngrp)
                def _():
                    fire(g1 + 1, 0, sema)

                drain(g1, 1, semb)
                scat(g1, 1)

            return carry

        @pl.when(ngrp > 0)
        def _():
            fire(0, 0, sema)

        lax.fori_loop(0, (ngrp + 1) // 2, ebody, 0)

        def tbody(j, carry):
            pltpu.async_copy(
                h_hbm.at[src_v.at[pl.ds((off + j) * CH, CH)]],
                rows_v.at[0].at[pl.ds(0, CH)], sema).wait()
            pltpu.sync_copy(
                rows_v.at[0].at[pl.ds(0, CH)],
                acc_sh.at[dst_v.at[pl.ds((off + j) * CH, CH)]], add=True)
            return carry

        lax.fori_loop(ngrp * GB, mych, tbody, 0)
        plsc.subcore_barrier()

        def wbody(i, carry):
            r0 = (s * rpt + i) * CH
            pltpu.sync_copy(acc_sh.at[pl.ds(r0, CH)],
                            agg_out.at[c, pl.ds(r0, CH)])
            return carry

        lax.fori_loop(0, rpt, wbody, 0)

    return sc_agg


def kernel(x, edge_index, W, b):
    n, d_in = x.shape
    d = W.shape[1]
    e = edge_index.shape[1]

    bn = 1000
    h = pl.pallas_call(
        _matmul_kernel,
        grid=(n // bn,),
        in_specs=[
            pl.BlockSpec((bn, d_in), lambda i: (i, 0)),
            pl.BlockSpec((d_in, d), lambda i: (0, 0)),
            pl.BlockSpec((1, d), lambda i: (0, 0)),
        ],
        out_specs=pl.BlockSpec((bn, DP), lambda i: (i, 0)),
        out_shape=jax.ShapeDtypeStruct((n, DP), jnp.bfloat16),
    )(x, W, b.reshape(1, d))

    tch = -(-e // CH)
    nch0 = round(tch * 0.5 / NS)
    nch1 = (tch - NS * nch0) // NS
    rem = tch - NS * (nch0 + nch1)
    n_pad = -(-(n + 1) // (NS * CH)) * (NS * CH)

    ei = edge_index
    if tch * CH > e:
        pad = tch * CH - e
        ei = jnp.concatenate(
            [ei, jnp.stack([jnp.zeros((pad,), jnp.int32),
                            jnp.full((pad,), n, jnp.int32)])], axis=1)
    zrow = jnp.zeros((CH, DP), jnp.bfloat16)

    agg_p = _make_sc_agg(n_pad, tch, nch0, nch1, rem)(h, ei[0], ei[1], zrow)

    out = pl.pallas_call(
        _finalize_kernel,
        grid=(n // bn,),
        in_specs=[
            pl.BlockSpec((NC, bn, DP), lambda i: (0, i, 0)),
        ],
        out_specs=pl.BlockSpec((bn, d), lambda i: (i, 0)),
        out_shape=jax.ShapeDtypeStruct((n, d), jnp.float32),
    )(agg_p)
    return out

# --- scband reference (transcript-rebuilt; emitter-appended) ---
"""Pipeline reference for scband-encoder-23158463660672 (READ-ONLY COPY).

The authoritative reference and input builder live on the scoring server;
editing this copy changes nothing except your own understanding.
"""

import jax, jax.numpy as jnp
import numpy as np

N = 10000
E = 320000
D_IN = 128
D_OUT = 128


def setup_inputs(seed: int = 0) -> dict:
    key = jax.random.key(seed)
    k1, k2, k3, k4 = jax.random.split(key, 4)
    x = jax.random.normal(k1, (N, D_IN), dtype=jnp.float32)
    edge_index = jax.random.randint(k2, (2, E), 0, N, dtype=jnp.int32)
    W = jax.random.normal(k3, (D_IN, D_OUT), dtype=jnp.float32) / np.sqrt(D_IN)
    b = jnp.zeros((D_OUT,), dtype=jnp.float32)
    return {"x": x, "edge_index": edge_index, "W": W, "b": b}


def reference(x, edge_index, W, b):
    # GCN-style graph encoder: linear transform, gather messages along edges,
    # scatter-add to destination nodes, degree-normalize (mean agg), ReLU.
    h = x @ W + b                              # [N, D_OUT]
    src = edge_index[0]
    dst = edge_index[1]
    msgs = jnp.take(h, src, axis=0)            # gather  [E, D_OUT]
    agg = jax.ops.segment_sum(msgs, dst, num_segments=N)   # scatter-add [N, D_OUT]
    deg = jax.ops.segment_sum(jnp.ones((E,), dtype=h.dtype), dst, num_segments=N)
    out = agg / jnp.clip(deg, 1.0)[:, None]
    return jax.nn.relu(out)

if __name__ == "__main__":
    import jax
    _d = setup_inputs()
    print(jax.jit(kernel)(*tuple(_d.values())))

</pallas_src>

<mosaic_0001>
#map = affine_map<(d0, d1) -> (0, 0)>
#map1 = affine_map<(d0, d1) -> (0)>
#map2 = affine_map<(d0, d1) -> (0, 0, 0)>
module attributes {stable_mosaic.version = 14 : i64} {
  func.func @sc_agg(%arg0: i32, %arg1: i32, %arg2: memref<10000x160xbf16, #tpu.memory_space<hbm>>, %arg3: memref<320000xi32, #tpu.memory_space<hbm>>, %arg4: memref<320000xi32, #tpu.memory_space<hbm>>, %arg5: memref<128x160xbf16, #tpu.memory_space<hbm>>, %arg6: memref<2x10240x160xbf16, #tpu.memory_space<hbm>>, %arg7: memref<10112xi32, #tpu.memory_space<vmem>>, %arg8: memref<10112xi32, #tpu.memory_space<vmem>>, %arg9: memref<2x256x160xbf16, #tpu.memory_space<vmem>>, %arg10: memref<10240x160xbf16, #tpu.memory_space<vmem_shared>>, %arg11: memref<!tpu.dma_semaphore, #tpu.memory_space<semaphore_mem>>, %arg12: memref<!tpu.dma_semaphore, #tpu.memory_space<semaphore_mem>>) attributes {dimension_semantics = [#tpu.dimension_semantics<core_parallel>, #tpu.dimension_semantics<subcore_parallel>], iteration_bounds = array<i64: 2, 16>, scalar_prefetch = 0 : i64, scratch_operands = 6 : i64, tpu.core_type = #tpu.core_type<sc_vector_subcore>, window_params = [{transform_indices = #map}, {transform_indices = #map1}, {transform_indices = #map1}, {transform_indices = #map}, {transform_indices = #map2}]} {
    %scan3A = arith.constant 0 : i32
    %scan3A_0 = arith.constant 0 : i32
    %scan3A_1 = arith.constant 5 : i32
    %scan3A_2 = arith.addi %scan3A_0, %scan3A_1 : i32
    %scan3A_3 = arith.constant 1 : i32
    scf.for %scan3A_99 = %scan3A_0 to %scan3A_2 step %scan3A_3  : i32 {
      %mul3A_100 = arith.constant 5 : i32
      %mul3A_101 = arith.muli %arg1, %mul3A_100 : i32
      %add3A_102 = arith.addi %mul3A_101, %scan3A_99 : i32
      %mul3A_103 = arith.constant 128 : i32
      %mul3A_104 = arith.muli %add3A_102, %mul3A_103 : i32
      "tpu.region"() ({
        %run_scoped3A = tpu.sem_alloc : memref<!tpu.dma_semaphore, #tpu.memory_space<semaphore_mem>>
        %dma_start3A = arith.constant 0 : i32
        %dma_start3A_105 = tpu.memref_slice %arg10[%mul3A_104, %dma_start3A] : memref<10240x160xbf16, #tpu.memory_space<vmem_shared>> -> memref<128x160xbf16, #tpu.memory_space<vmem_shared>>
        tpu.enqueue_dma source(%arg5 : memref<128x160xbf16, #tpu.memory_space<hbm>>) target(%dma_start3A_105 : memref<128x160xbf16, #tpu.memory_space<vmem_shared>>) target_semaphore(%run_scoped3A : memref<!tpu.dma_semaphore, #tpu.memory_space<semaphore_mem>>)
        %dma_wait3A = arith.constant 0 : i32
        %dma_wait3A_106 = tpu.memref_slice %arg10[%mul3A_104, %dma_wait3A] : memref<10240x160xbf16, #tpu.memory_space<vmem_shared>> -> memref<128x160xbf16, #tpu.memory_space<vmem_shared>>
        tpu.wait_dma2 semaphore(%run_scoped3A : memref<!tpu.dma_semaphore, #tpu.memory_space<semaphore_mem>>) src(%arg5 : memref<128x160xbf16, #tpu.memory_space<hbm>>) dst(%dma_wait3A_106 : memref<128x160xbf16, #tpu.memory_space<vmem_shared>>)
        tpu.yield
      }) : () -> ()
    }
    %scan3A_4 = arith.constant 5 : i32
    %eq3A = arith.constant 0 : i32
    %eq3A_5 = arith.cmpi eq, %arg0, %eq3A : i32
    %mul3A = arith.constant 78 : i32
    %mul3A_6 = arith.muli %arg1, %mul3A : i32
    %mul3A_7 = arith.constant 78 : i32
    %mul3A_8 = arith.muli %arg1, %mul3A_7 : i32
    %add3A = arith.constant 1248 : i32
    %add3A_9 = arith.addi %add3A, %mul3A_8 : i32
    %min3A = arith.constant 4 : i32
    %min3A_10 = arith.minsi %arg1, %min3A : i32
    %add3A_11 = arith.addi %add3A_9, %min3A_10 : i32
    %select_n3A = arith.select %eq3A_5, %mul3A_6, %add3A_11 : i32
    %eq3A_12 = arith.constant 0 : i32
    %eq3A_13 = arith.cmpi eq, %arg0, %eq3A_12 : i32
    %lt3A = arith.constant 4 : i32
    %lt3A_14 = arith.cmpi slt, %arg1, %lt3A : i32
    %convert_element_type3A = arith.extui %lt3A_14 : i1 to i32
    %add3A_15 = arith.constant 78 : i32
    %add3A_16 = arith.addi %add3A_15, %convert_element_type3A : i32
    %jit3A = arith.constant 78 : i32
    %select_n3A_17 = arith.select %eq3A_13, %jit3A, %add3A_16 : i32
    %min3A_18 = arith.constant 2421 : i32
    %min3A_19 = arith.minsi %select_n3A, %min3A_18 : i32
    %sub3A = arith.subi %select_n3A, %min3A_19 : i32
    %mul3A_20 = arith.constant 128 : i32
    %mul3A_21 = arith.muli %min3A_19, %mul3A_20 : i32
    "tpu.region"() ({
      %run_scoped3A = tpu.sem_alloc : memref<!tpu.dma_semaphore, #tpu.memory_space<semaphore_mem>>
      %dma_start3A = tpu.memref_slice %arg3[%mul3A_21] : memref<320000xi32, #tpu.memory_space<hbm>> -> memref<10112xi32, #tpu.memory_space<hbm>>
      %dma_start3A_99 = tpu.memref_slice %arg3[%mul3A_21] : memref<320000xi32, #tpu.memory_space<hbm>> -> memref<10112xi32, #tpu.memory_space<hbm>>
      tpu.enqueue_dma source(%dma_start3A_99 : memref<10112xi32, #tpu.memory_space<hbm>>) target(%arg7 : memref<10112xi32, #tpu.memory_space<vmem>>) target_semaphore(%run_scoped3A : memref<!tpu.dma_semaphore, #tpu.memory_space<semaphore_mem>>)
      %dma_wait3A = tpu.memref_slice %arg3[%mul3A_21] : memref<320000xi32, #tpu.memory_space<hbm>> -> memref<10112xi32, #tpu.memory_space<hbm>>
      %dma_wait3A_100 = tpu.memref_slice %arg3[%mul3A_21] : memref<320000xi32, #tpu.memory_space<hbm>> -> memref<10112xi32, #tpu.memory_space<hbm>>
      tpu.wait_dma2 semaphore(%run_scoped3A : memref<!tpu.dma_semaphore, #tpu.memory_space<semaphore_mem>>) src(%dma_wait3A_100 : memref<10112xi32, #tpu.memory_space<hbm>>) dst(%arg7 : memref<10112xi32, #tpu.memory_space<vmem>>)
      tpu.yield
    }) : () -> ()
    %mul3A_22 = arith.constant 128 : i32
    %mul3A_23 = arith.muli %min3A_19, %mul3A_22 : i32
    "tpu.region"() ({
      %run_scoped3A = tpu.sem_alloc : memref<!tpu.dma_semaphore, #tpu.memory_space<semaphore_mem>>
      %dma_start3A = tpu.memref_slice %arg4[%mul3A_23] : memref<320000xi32, #tpu.memory_space<hbm>> -> memref<10112xi32, #tpu.memory_space<hbm>>
      %dma_start3A_99 = tpu.memref_slice %arg4[%mul3A_23] : memref<320000xi32, #tpu.memory_space<hbm>> -> memref<10112xi32, #tpu.memory_space<hbm>>
      tpu.enqueue_dma source(%dma_start3A_99 : memref<10112xi32, #tpu.memory_space<hbm>>) target(%arg8 : memref<10112xi32, #tpu.memory_space<vmem>>) target_semaphore(%run_scoped3A : memref<!tpu.dma_semaphore, #tpu.memory_space<semaphore_mem>>)
      %dma_wait3A = tpu.memref_slice %arg4[%mul3A_23] : memref<320000xi32, #tpu.memory_space<hbm>> -> memref<10112xi32, #tpu.memory_space<hbm>>
      %dma_wait3A_100 = tpu.memref_slice %arg4[%mul3A_23] : memref<320000xi32, #tpu.memory_space<hbm>> -> memref<10112xi32, #tpu.memory_space<hbm>>
      tpu.wait_dma2 semaphore(%run_scoped3A : memref<!tpu.dma_semaphore, #tpu.memory_space<semaphore_mem>>) src(%dma_wait3A_100 : memref<10112xi32, #tpu.memory_space<hbm>>) dst(%arg8 : memref<10112xi32, #tpu.memory_space<vmem>>)
      tpu.yield
    }) : () -> ()
    %barrier3A = arith.constant 0 : index
    tpu.barrier barrier_id(%barrier3A)
    %jit3A_24 = arith.constant 2 : i32
    %div3A = arith.divsi %select_n3A_17, %jit3A_24 : i32
    %sign3A = arith.constant 0 : i32
    %sign3A_25 = arith.cmpi sgt, %select_n3A_17, %sign3A : i32
    %sign3A_26 = arith.extui %sign3A_25 : i1 to i32
    %sign3A_27 = arith.constant 0 : i32
    %sign3A_28 = arith.cmpi slt, %select_n3A_17, %sign3A_27 : i32
    %sign3A_29 = arith.extui %sign3A_28 : i1 to i32
    %sign3A_30 = arith.subi %sign3A_26, %sign3A_29 : i32
    %sign3A_31 = arith.constant 0 : i32
    %sign3A_32 = arith.cmpi sgt, %jit3A_24, %sign3A_31 : i32
    %sign3A_33 = arith.extui %sign3A_32 : i1 to i32
    %sign3A_34 = arith.constant 0 : i32
    %sign3A_35 = arith.cmpi slt, %jit3A_24, %sign3A_34 : i32
    %sign3A_36 = arith.extui %sign3A_35 : i1 to i32
    %sign3A_37 = arith.subi %sign3A_33, %sign3A_36 : i32
    %ne3A = arith.cmpi ne, %sign3A_30, %sign3A_37 : i32
    %rem3A = arith.remsi %select_n3A_17, %jit3A_24 : i32
    %ne3A_38 = arith.constant 0 : i32
    %ne3A_39 = arith.cmpi ne, %rem3A, %ne3A_38 : i32
    %and3A = arith.andi %ne3A, %ne3A_39 : i1
    %sub3A_40 = arith.constant 1 : i32
    %sub3A_41 = arith.subi %div3A, %sub3A_40 : i32
    %select_n3A_42 = arith.select %and3A, %sub3A_41, %div3A : i32
    %gt3A = arith.constant 0 : i32
    %gt3A_43 = arith.cmpi sgt, %select_n3A_42, %gt3A : i32
    %convert_element_type3A_44 = arith.extui %gt3A_43 : i1 to i32
    %cond3A = arith.constant 0 : i32
    %cond3A_45 = arith.cmpi ne, %convert_element_type3A_44, %cond3A : i32
    scf.if %cond3A_45 {
      %add3A_99 = arith.constant 0 : i32
      %add3A_100 = arith.addi %sub3A, %add3A_99 : i32
      %mul3A_101 = arith.constant 128 : i32
      %mul3A_102 = arith.muli %add3A_100, %mul3A_101 : i32
      %dma_start3A = arith.constant 0 : i32
      %dma_start3A_103 = arith.constant 0 : i32
      %dma_start3A_104 = arith.constant 0 : i32
      %dma_start3A_105 = tpu.memref_slice %arg9[%dma_start3A, %dma_start3A_103, %dma_start3A_104] : memref<2x256x160xbf16, #tpu.memory_space<vmem>> -> memref<1x256x160xbf16, #tpu.memory_space<vmem>>
      %dma_start3A_106 = tpu.memref_squeeze %dma_start3A_105 : memref<1x256x160xbf16, #tpu.memory_space<vmem>> -> memref<256x160xbf16, #tpu.memory_space<vmem>>
      %dma_start3A_107 = tpu.memref_slice %arg7[%mul3A_102] : memref<10112xi32, #tpu.memory_space<vmem>> -> memref<256xi32, #tpu.memory_space<vmem>>
      %dma_start3A_108 = arith.constant 0 : i32
      %dma_start3A_109 = arith.constant 0 : i32
      %dma_start3A_110 = tpu.memref_slice %arg2[%dma_start3A_108, %dma_start3A_109] : memref<10000x160xbf16, #tpu.memory_space<hbm>> -> memref<10000x160xbf16, #tpu.memory_space<hbm>>
      tpu.enqueue_indirect_dma source(%dma_start3A_110 : memref<10000x160xbf16, #tpu.memory_space<hbm>>) target(%dma_start3A_106 : memref<256x160xbf16, #tpu.memory_space<vmem>>) offsets(%dma_start3A_107 : memref<256xi32, #tpu.memory_space<vmem>>) semaphore(%arg11 : memref<!tpu.dma_semaphore, #tpu.memory_space<semaphore_mem>>)
    } else {
    }
    %add3A_46 = arith.constant 1 : i32
    %add3A_47 = arith.addi %select_n3A_42, %add3A_46 : i32
    %jit3A_48 = arith.constant 2 : i32
    %div3A_49 = arith.divsi %add3A_47, %jit3A_48 : i32
    %sign3A_50 = arith.constant 0 : i32
    %sign3A_51 = arith.cmpi sgt, %add3A_47, %sign3A_50 : i32
    %sign3A_52 = arith.extui %sign3A_51 : i1 to i32
    %sign3A_53 = arith.constant 0 : i32
    %sign3A_54 = arith.cmpi slt, %add3A_47, %sign3A_53 : i32
    %sign3A_55 = arith.extui %sign3A_54 : i1 to i32
    %sign3A_56 = arith.subi %sign3A_52, %sign3A_55 : i32
    %sign3A_57 = arith.constant 0 : i32
    %sign3A_58 = arith.cmpi sgt, %jit3A_48, %sign3A_57 : i32
    %sign3A_59 = arith.extui %sign3A_58 : i1 to i32
    %sign3A_60 = arith.constant 0 : i32
    %sign3A_61 = arith.cmpi slt, %jit3A_48, %sign3A_60 : i32
    %sign3A_62 = arith.extui %sign3A_61 : i1 to i32
    %sign3A_63 = arith.subi %sign3A_59, %sign3A_62 : i32
    %ne3A_64 = arith.cmpi ne, %sign3A_56, %sign3A_63 : i32
    %rem3A_65 = arith.remsi %add3A_47, %jit3A_48 : i32
    %ne3A_66 = arith.constant 0 : i32
    %ne3A_67 = arith.cmpi ne, %rem3A_65, %ne3A_66 : i32
    %and3A_68 = arith.andi %ne3A_64, %ne3A_67 : i1
    %sub3A_69 = arith.constant 1 : i32
    %sub3A_70 = arith.subi %div3A_49, %sub3A_69 : i32
    %select_n3A_71 = arith.select %and3A_68, %sub3A_70, %div3A_49 : i32
    %while3A = arith.constant 0 : i32
    %while3A_72 = arith.constant 0 : i32
    %while3A_73 = arith.subi %select_n3A_71, %while3A_72 : i32
    %while3A_74 = arith.addi %while3A_72, %while3A_73 : i32
    %while3A_75 = arith.constant 1 : i32
    %while3A_76 = arith.divsi %while3A_73, %while3A_75 : i32
    %while3A_77 = arith.muli %while3A_76, %while3A_75 : i32
    %while3A_78 = arith.addi %while3A_72, %while3A_77 : i32
    %while3A_79 = arith.constant 1 : i32
    scf.for %while3A_99 = %while3A_72 to %while3A_78 step %while3A_79  : i32 {
      %mul3A_100 = arith.constant 2 : i32
      %mul3A_101 = arith.muli %mul3A_100, %while3A_99 : i32
      %mul3A_102 = arith.constant 2 : i32
      %mul3A_103 = arith.muli %mul3A_102, %while3A_99 : i32
      %add3A_104 = arith.constant 1 : i32
      %add3A_105 = arith.addi %mul3A_103, %add3A_104 : i32
      %lt3A_106 = arith.cmpi slt, %add3A_105, %select_n3A_42 : i32
      %convert_element_type3A_107 = arith.extui %lt3A_106 : i1 to i32
      %cond3A_108 = arith.constant 0 : i32
      %cond3A_109 = arith.cmpi ne, %convert_element_type3A_107, %cond3A_108 : i32
      scf.if %cond3A_109 {
        %mul3A_134 = arith.constant 2 : i32
        %mul3A_135 = arith.muli %add3A_105, %mul3A_134 : i32
        %add3A_136 = arith.addi %sub3A, %mul3A_135 : i32
        %mul3A_137 = arith.constant 128 : i32
        %mul3A_138 = arith.muli %add3A_136, %mul3A_137 : i32
        %dma_start3A = arith.constant 1 : i32
        %dma_start3A_139 = arith.constant 0 : i32
        %dma_start3A_140 = arith.constant 0 : i32
        %dma_start3A_141 = tpu.memref_slice %arg9[%dma_start3A, %dma_start3A_139, %dma_start3A_140] : memref<2x256x160xbf16, #tpu.memory_space<vmem>> -> memref<1x256x160xbf16, #tpu.memory_space<vmem>>
        %dma_start3A_142 = tpu.memref_squeeze %dma_start3A_141 : memref<1x256x160xbf16, #tpu.memory_space<vmem>> -> memref<256x160xbf16, #tpu.memory_space<vmem>>
        %dma_start3A_143 = tpu.memref_slice %arg7[%mul3A_138] : memref<10112xi32, #tpu.memory_space<vmem>> -> memref<256xi32, #tpu.memory_space<vmem>>
        %dma_start3A_144 = arith.constant 0 : i32
        %dma_start3A_145 = arith.constant 0 : i32
        %dma_start3A_146 = tpu.memref_slice %arg2[%dma_start3A_144, %dma_start3A_145] : memref<10000x160xbf16, #tpu.memory_space<hbm>> -> memref<10000x160xbf16, #tpu.memory_space<hbm>>
        tpu.enqueue_indirect_dma source(%dma_start3A_146 : memref<10000x160xbf16, #tpu.memory_space<hbm>>) target(%dma_start3A_142 : memref<256x160xbf16, #tpu.memory_space<vmem>>) offsets(%dma_start3A_143 : memref<256xi32, #tpu.memory_space<vmem>>) semaphore(%arg12 : memref<!tpu.dma_semaphore, #tpu.memory_space<semaphore_mem>>)
      } else {
      }
      %mul3A_110 = arith.constant 2 : i32
      %mul3A_111 = arith.muli %mul3A_101, %mul3A_110 : i32
      %add3A_112 = arith.addi %sub3A, %mul3A_111 : i32
      %mul3A_113 = arith.constant 128 : i32
      %mul3A_114 = arith.muli %add3A_112, %mul3A_113 : i32
      %dma_wait3A = arith.constant 0 : i32
      %dma_wait3A_115 = arith.constant 0 : i32
      %dma_wait3A_116 = arith.constant 0 : i32
      %dma_wait3A_117 = tpu.memref_slice %arg9[%dma_wait3A, %dma_wait3A_115, %dma_wait3A_116] : memref<2x256x160xbf16, #tpu.memory_space<vmem>> -> memref<1x256x160xbf16, #tpu.memory_space<vmem>>
      %dma_wait3A_118 = tpu.memref_squeeze %dma_wait3A_117 : memref<1x256x160xbf16, #tpu.memory_space<vmem>> -> memref<256x160xbf16, #tpu.memory_space<vmem>>
      %dma_wait3A_119 = tpu.memref_slice %arg7[%mul3A_114] : memref<10112xi32, #tpu.memory_space<vmem>> -> memref<256xi32, #tpu.memory_space<vmem>>
      %dma_wait3A_120 = arith.constant 0 : i32
      %dma_wait3A_121 = arith.constant 0 : i32
      %dma_wait3A_122 = tpu.memref_slice %arg2[%dma_wait3A_120, %dma_wait3A_121] : memref<10000x160xbf16, #tpu.memory_space<hbm>> -> memref<10000x160xbf16, #tpu.memory_space<hbm>>
      tpu.wait_indirect_dma semaphore(%arg11 : memref<!tpu.dma_semaphore, #tpu.memory_space<semaphore_mem>>) src(%dma_wait3A_122 : memref<10000x160xbf16, #tpu.memory_space<hbm>>) dst(%dma_wait3A_118 : memref<256x160xbf16, #tpu.memory_space<vmem>>)
      %mul3A_123 = arith.constant 2 : i32
      %mul3A_124 = arith.muli %mul3A_101, %mul3A_123 : i32
      %add3A_125 = arith.addi %sub3A, %mul3A_124 : i32
      %add3A_126 = arith.constant 0 : i32
      %add3A_127 = arith.addi %add3A_125, %add3A_126 : i32
      %mul3A_128 = arith.constant 128 : i32
      %mul3A_129 = arith.muli %add3A_127, %mul3A_128 : i32
      %run_scoped3A = arith.constant 0 : i32
      "tpu.region"() ({
        %run_scoped3A_134 = tpu.sem_alloc : memref<!tpu.dma_semaphore, #tpu.memory_space<semaphore_mem>>
        %dma_start3A = arith.constant 0 : i32
        %dma_start3A_135 = arith.constant 0 : i32
        %dma_start3A_136 = tpu.memref_slice %arg9[%run_scoped3A, %dma_start3A, %dma_start3A_135] : memref<2x256x160xbf16, #tpu.memory_space<vmem>> -> memref<1x256x160xbf16, #tpu.memory_space<vmem>>
        %dma_start3A_137 = tpu.memref_squeeze %dma_start3A_136 : memref<1x256x160xbf16, #tpu.memory_space<vmem>> -> memref<256x160xbf16, #tpu.memory_space<vmem>>
        %dma_start3A_138 = arith.constant 0 : i32
        %dma_start3A_139 = arith.constant 0 : i32
        %dma_start3A_140 = tpu.memref_slice %dma_start3A_137[%dma_start3A_138, %dma_start3A_139] : memref<256x160xbf16, #tpu.memory_space<vmem>> -> memref<256x160xbf16, #tpu.memory_space<vmem>>
        %dma_start3A_141 = tpu.memref_slice %arg8[%mul3A_129] : memref<10112xi32, #tpu.memory_space<vmem>> -> memref<256xi32, #tpu.memory_space<vmem>>
        %dma_start3A_142 = arith.constant 0 : i32
        %dma_start3A_143 = arith.constant 0 : i32
        %dma_start3A_144 = tpu.memref_slice %arg10[%dma_start3A_142, %dma_start3A_143] : memref<10240x160xbf16, #tpu.memory_space<vmem_shared>> -> memref<10240x160xbf16, #tpu.memory_space<vmem_shared>>
        tpu.enqueue_indirect_dma source(%dma_start3A_140 : memref<256x160xbf16, #tpu.memory_space<vmem>>) target(%dma_start3A_144 : memref<10240x160xbf16, #tpu.memory_space<vmem_shared>>) offsets(%dma_start3A_141 : memref<256xi32, #tpu.memory_space<vmem>>) semaphore(%run_scoped3A_134 : memref<!tpu.dma_semaphore, #tpu.memory_space<semaphore_mem>>) {add = true}
        %dma_wait3A_145 = arith.constant 0 : i32
        %dma_wait3A_146 = arith.constant 0 : i32
        %dma_wait3A_147 = tpu.memref_slice %arg9[%run_scoped3A, %dma_wait3A_145, %dma_wait3A_146] : memref<2x256x160xbf16, #tpu.memory_space<vmem>> -> memref<1x256x160xbf16, #tpu.memory_space<vmem>>
        %dma_wait3A_148 = tpu.memref_squeeze %dma_wait3A_147 : memref<1x256x160xbf16, #tpu.memory_space<vmem>> -> memref<256x160xbf16, #tpu.memory_space<vmem>>
        %dma_wait3A_149 = arith.constant 0 : i32
        %dma_wait3A_150 = arith.constant 0 : i32
        %dma_wait3A_151 = tpu.memref_slice %dma_wait3A_148[%dma_wait3A_149, %dma_wait3A_150] : memref<256x160xbf16, #tpu.memory_space<vmem>> -> memref<256x160xbf16, #tpu.memory_space<vmem>>
        %dma_wait3A_152 = tpu.memref_slice %arg8[%mul3A_129] : memref<10112xi32, #tpu.memory_space<vmem>> -> memref<256xi32, #tpu.memory_space<vmem>>
        %dma_wait3A_153 = arith.constant 0 : i32
        %dma_wait3A_154 = arith.constant 0 : i32
        %dma_wait3A_155 = tpu.memref_slice %arg10[%dma_wait3A_153, %dma_wait3A_154] : memref<10240x160xbf16, #tpu.memory_space<vmem_shared>> -> memref<10240x160xbf16, #tpu.memory_space<vmem_shared>>
        tpu.wait_indirect_dma semaphore(%run_scoped3A_134 : memref<!tpu.dma_semaphore, #tpu.memory_space<semaphore_mem>>) src(%dma_wait3A_151 : memref<256x160xbf16, #tpu.memory_space<vmem>>) dst(%dma_wait3A_155 : memref<10240x160xbf16, #tpu.memory_space<vmem_shared>>)
        tpu.yield
      }) : () -> ()
      %lt3A_130 = arith.cmpi slt, %add3A_105, %select_n3A_42 : i32
      %convert_element_type3A_131 = arith.extui %lt3A_130 : i1 to i32
      %cond3A_132 = arith.constant 0 : i32
      %cond3A_133 = arith.cmpi ne, %convert_element_type3A_131, %cond3A_132 : i32
      scf.if %cond3A_133 {
        %add3A_134 = arith.constant 1 : i32
        %add3A_135 = arith.addi %add3A_105, %add3A_134 : i32
        %lt3A_136 = arith.cmpi slt, %add3A_135, %select_n3A_42 : i32
        %convert_element_type3A_137 = arith.extui %lt3A_136 : i1 to i32
        %cond3A_138 = arith.constant 0 : i32
        %cond3A_139 = arith.cmpi ne, %convert_element_type3A_137, %cond3A_138 : i32
        scf.if %cond3A_139 {
          %add3A_162 = arith.constant 1 : i32
          %add3A_163 = arith.addi %add3A_105, %add3A_162 : i32
          %mul3A_164 = arith.constant 2 : i32
          %mul3A_165 = arith.muli %add3A_163, %mul3A_164 : i32
          %add3A_166 = arith.addi %sub3A, %mul3A_165 : i32
          %mul3A_167 = arith.constant 128 : i32
          %mul3A_168 = arith.muli %add3A_166, %mul3A_167 : i32
          %dma_start3A = arith.constant 0 : i32
          %dma_start3A_169 = arith.constant 0 : i32
          %dma_start3A_170 = arith.constant 0 : i32
          %dma_start3A_171 = tpu.memref_slice %arg9[%dma_start3A, %dma_start3A_169, %dma_start3A_170] : memref<2x256x160xbf16, #tpu.memory_space<vmem>> -> memref<1x256x160xbf16, #tpu.memory_space<vmem>>
          %dma_start3A_172 = tpu.memref_squeeze %dma_start3A_171 : memref<1x256x160xbf16, #tpu.memory_space<vmem>> -> memref<256x160xbf16, #tpu.memory_space<vmem>>
          %dma_start3A_173 = tpu.memref_slice %arg7[%mul3A_168] : memref<10112xi32, #tpu.memory_space<vmem>> -> memref<256xi32, #tpu.memory_space<vmem>>
          %dma_start3A_174 = arith.constant 0 : i32
          %dma_start3A_175 = arith.constant 0 : i32
          %dma_start3A_176 = tpu.memref_slice %arg2[%dma_start3A_174, %dma_start3A_175] : memref<10000x160xbf16, #tpu.memory_space<hbm>> -> memref<10000x160xbf16, #tpu.memory_space<hbm>>
          tpu.enqueue_indirect_dma source(%dma_start3A_176 : memref<10000x160xbf16, #tpu.memory_space<hbm>>) target(%dma_start3A_172 : memref<256x160xbf16, #tpu.memory_space<vmem>>) offsets(%dma_start3A_173 : memref<256xi32, #tpu.memory_space<vmem>>) semaphore(%arg11 : memref<!tpu.dma_semaphore, #tpu.memory_space<semaphore_mem>>)
        } else {
        }
        %mul3A_140 = arith.constant 2 : i32
        %mul3A_141 = arith.muli %add3A_105, %mul3A_140 : i32
        %add3A_142 = arith.addi %sub3A, %mul3A_141 : i32
        %mul3A_143 = arith.constant 128 : i32
        %mul3A_144 = arith.muli %add3A_142, %mul3A_143 : i32
        %dma_wait3A_145 = arith.constant 1 : i32
        %dma_wait3A_146 = arith.constant 0 : i32
        %dma_wait3A_147 = arith.constant 0 : i32
        %dma_wait3A_148 = tpu.memref_slice %arg9[%dma_wait3A_145, %dma_wait3A_146, %dma_wait3A_147] : memref<2x256x160xbf16, #tpu.memory_space<vmem>> -> memref<1x256x160xbf16, #tpu.memory_space<vmem>>
        %dma_wait3A_149 = tpu.memref_squeeze %dma_wait3A_148 : memref<1x256x160xbf16, #tpu.memory_space<vmem>> -> memref<256x160xbf16, #tpu.memory_space<vmem>>
        %dma_wait3A_150 = tpu.memref_slice %arg7[%mul3A_144] : memref<10112xi32, #tpu.memory_space<vmem>> -> memref<256xi32, #tpu.memory_space<vmem>>
        %dma_wait3A_151 = arith.constant 0 : i32
        %dma_wait3A_152 = arith.constant 0 : i32
        %dma_wait3A_153 = tpu.memref_slice %arg2[%dma_wait3A_151, %dma_wait3A_152] : memref<10000x160xbf16, #tpu.memory_space<hbm>> -> memref<10000x160xbf16, #tpu.memory_space<hbm>>
        tpu.wait_indirect_dma semaphore(%arg12 : memref<!tpu.dma_semaphore, #tpu.memory_space<semaphore_mem>>) src(%dma_wait3A_153 : memref<10000x160xbf16, #tpu.memory_space<hbm>>) dst(%dma_wait3A_149 : memref<256x160xbf16, #tpu.memory_space<vmem>>)
        %mul3A_154 = arith.constant 2 : i32
        %mul3A_155 = arith.muli %add3A_105, %mul3A_154 : i32
        %add3A_156 = arith.addi %sub3A, %mul3A_155 : i32
        %add3A_157 = arith.constant 0 : i32
        %add3A_158 = arith.addi %add3A_156, %add3A_157 : i32
        %mul3A_159 = arith.constant 128 : i32
        %mul3A_160 = arith.muli %add3A_158, %mul3A_159 : i32
        %run_scoped3A_161 = arith.constant 1 : i32
        "tpu.region"() ({
          %run_scoped3A_162 = tpu.sem_alloc : memref<!tpu.dma_semaphore, #tpu.memory_space<semaphore_mem>>
          %dma_start3A = arith.constant 0 : i32
          %dma_start3A_163 = arith.constant 0 : i32
          %dma_start3A_164 = tpu.memref_slice %arg9[%run_scoped3A_161, %dma_start3A, %dma_start3A_163] : memref<2x256x160xbf16, #tpu.memory_space<vmem>> -> memref<1x256x160xbf16, #tpu.memory_space<vmem>>
          %dma_start3A_165 = tpu.memref_squeeze %dma_start3A_164 : memref<1x256x160xbf16, #tpu.memory_space<vmem>> -> memref<256x160xbf16, #tpu.memory_space<vmem>>
          %dma_start3A_166 = arith.constant 0 : i32
          %dma_start3A_167 = arith.constant 0 : i32
          %dma_start3A_168 = tpu.memref_slice %dma_start3A_165[%dma_start3A_166, %dma_start3A_167] : memref<256x160xbf16, #tpu.memory_space<vmem>> -> memref<256x160xbf16, #tpu.memory_space<vmem>>
          %dma_start3A_169 = tpu.memref_slice %arg8[%mul3A_160] : memref<10112xi32, #tpu.memory_space<vmem>> -> memref<256xi32, #tpu.memory_space<vmem>>
          %dma_start3A_170 = arith.constant 0 : i32
          %dma_start3A_171 = arith.constant 0 : i32
          %dma_start3A_172 = tpu.memref_slice %arg10[%dma_start3A_170, %dma_start3A_171] : memref<10240x160xbf16, #tpu.memory_space<vmem_shared>> -> memref<10240x160xbf16, #tpu.memory_space<vmem_shared>>
          tpu.enqueue_indirect_dma source(%dma_start3A_168 : memref<256x160xbf16, #tpu.memory_space<vmem>>) target(%dma_start3A_172 : memref<10240x160xbf16, #tpu.memory_space<vmem_shared>>) offsets(%dma_start3A_169 : memref<256xi32, #tpu.memory_space<vmem>>) semaphore(%run_scoped3A_162 : memref<!tpu.dma_semaphore, #tpu.memory_space<semaphore_mem>>) {add = true}
          %dma_wait3A_173 = arith.constant 0 : i32
          %dma_wait3A_174 = arith.constant 0 : i32
          %dma_wait3A_175 = tpu.memref_slice %arg9[%run_scoped3A_161, %dma_wait3A_173, %dma_wait3A_174] : memref<2x256x160xbf16, #tpu.memory_space<vmem>> -> memref<1x256x160xbf16, #tpu.memory_space<vmem>>
          %dma_wait3A_176 = tpu.memref_squeeze %dma_wait3A_175 : memref<1x256x160xbf16, #tpu.memory_space<vmem>> -> memref<256x160xbf16, #tpu.memory_space<vmem>>
          %dma_wait3A_177 = arith.constant 0 : i32
          %dma_wait3A_178 = arith.constant 0 : i32
          %dma_wait3A_179 = tpu.memref_slice %dma_wait3A_176[%dma_wait3A_177, %dma_wait3A_178] : memref<256x160xbf16, #tpu.memory_space<vmem>> -> memref<256x160xbf16, #tpu.memory_space<vmem>>
          %dma_wait3A_180 = tpu.memref_slice %arg8[%mul3A_160] : memref<10112xi32, #tpu.memory_space<vmem>> -> memref<256xi32, #tpu.memory_space<vmem>>
          %dma_wait3A_181 = arith.constant 0 : i32
          %dma_wait3A_182 = arith.constant 0 : i32
          %dma_wait3A_183 = tpu.memref_slice %arg10[%dma_wait3A_181, %dma_wait3A_182] : memref<10240x160xbf16, #tpu.memory_space<vmem_shared>> -> memref<10240x160xbf16, #tpu.memory_space<vmem_shared>>
          tpu.wait_indirect_dma semaphore(%run_scoped3A_162 : memref<!tpu.dma_semaphore, #tpu.memory_space<semaphore_mem>>) src(%dma_wait3A_179 : memref<256x160xbf16, #tpu.memory_space<vmem>>) dst(%dma_wait3A_183 : memref<10240x160xbf16, #tpu.memory_space<vmem_shared>>)
          tpu.yield
        }) : () -> ()
      } else {
      }
    }
    %while3A_80 = arith.constant 1 : i32
    scf.for %while3A_99 = %while3A_78 to %while3A_74 step %while3A_80  : i32 {
      %mul3A_100 = arith.constant 2 : i32
      %mul3A_101 = arith.muli %mul3A_100, %while3A_99 : i32
      %mul3A_102 = arith.constant 2 : i32
      %mul3A_103 = arith.muli %mul3A_102, %while3A_99 : i32
      %add3A_104 = arith.constant 1 : i32
      %add3A_105 = arith.addi %mul3A_103, %add3A_104 : i32
      %lt3A_106 = arith.cmpi slt, %add3A_105, %select_n3A_42 : i32
      %convert_element_type3A_107 = arith.extui %lt3A_106 : i1 to i32
      %cond3A_108 = arith.constant 0 : i32
      %cond3A_109 = arith.cmpi ne, %convert_element_type3A_107, %cond3A_108 : i32
      scf.if %cond3A_109 {
        %mul3A_134 = arith.constant 2 : i32
        %mul3A_135 = arith.muli %add3A_105, %mul3A_134 : i32
        %add3A_136 = arith.addi %sub3A, %mul3A_135 : i32
        %mul3A_137 = arith.constant 128 : i32
        %mul3A_138 = arith.muli %add3A_136, %mul3A_137 : i32
        %dma_start3A = arith.constant 1 : i32
        %dma_start3A_139 = arith.constant 0 : i32
        %dma_start3A_140 = arith.constant 0 : i32
        %dma_start3A_141 = tpu.memref_slice %arg9[%dma_start3A, %dma_start3A_139, %dma_start3A_140] : memref<2x256x160xbf16, #tpu.memory_space<vmem>> -> memref<1x256x160xbf16, #tpu.memory_space<vmem>>
        %dma_start3A_142 = tpu.memref_squeeze %dma_start3A_141 : memref<1x256x160xbf16, #tpu.memory_space<vmem>> -> memref<256x160xbf16, #tpu.memory_space<vmem>>
        %dma_start3A_143 = tpu.memref_slice %arg7[%mul3A_138] : memref<10112xi32, #tpu.memory_space<vmem>> -> memref<256xi32, #tpu.memory_space<vmem>>
        %dma_start3A_144 = arith.constant 0 : i32
        %dma_start3A_145 = arith.constant 0 : i32
        %dma_start3A_146 = tpu.memref_slice %arg2[%dma_start3A_144, %dma_start3A_145] : memref<10000x160xbf16, #tpu.memory_space<hbm>> -> memref<10000x160xbf16, #tpu.memory_space<hbm>>
        tpu.enqueue_indirect_dma source(%dma_start3A_146 : memref<10000x160xbf16, #tpu.memory_space<hbm>>) target(%dma_start3A_142 : memref<256x160xbf16, #tpu.memory_space<vmem>>) offsets(%dma_start3A_143 : memref<256xi32, #tpu.memory_space<vmem>>) semaphore(%arg12 : memref<!tpu.dma_semaphore, #tpu.memory_space<semaphore_mem>>)
      } else {
      }
      %mul3A_110 = arith.constant 2 : i32
      %mul3A_111 = arith.muli %mul3A_101, %mul3A_110 : i32
      %add3A_112 = arith.addi %sub3A, %mul3A_111 : i32
      %mul3A_113 = arith.constant 128 : i32
      %mul3A_114 = arith.muli %add3A_112, %mul3A_113 : i32
      %dma_wait3A = arith.constant 0 : i32
      %dma_wait3A_115 = arith.constant 0 : i32
      %dma_wait3A_116 = arith.constant 0 : i32
      %dma_wait3A_117 = tpu.memref_slice %arg9[%dma_wait3A, %dma_wait3A_115, %dma_wait3A_116] : memref<2x256x160xbf16, #tpu.memory_space<vmem>> -> memref<1x256x160xbf16, #tpu.memory_space<vmem>>
      %dma_wait3A_118 = tpu.memref_squeeze %dma_wait3A_117 : memref<1x256x160xbf16, #tpu.memory_space<vmem>> -> memref<256x160xbf16, #tpu.memory_space<vmem>>
      %dma_wait3A_119 = tpu.memref_slice %arg7[%mul3A_114] : memref<10112xi32, #tpu.memory_space<vmem>> -> memref<256xi32, #tpu.memory_space<vmem>>
      %dma_wait3A_120 = arith.constant 0 : i32
      %dma_wait3A_121 = arith.constant 0 : i32
      %dma_wait3A_122 = tpu.memref_slice %arg2[%dma_wait3A_120, %dma_wait3A_121] : memref<10000x160xbf16, #tpu.memory_space<hbm>> -> memref<10000x160xbf16, #tpu.memory_space<hbm>>
      tpu.wait_indirect_dma semaphore(%arg11 : memref<!tpu.dma_semaphore, #tpu.memory_space<semaphore_mem>>) src(%dma_wait3A_122 : memref<10000x160xbf16, #tpu.memory_space<hbm>>) dst(%dma_wait3A_118 : memref<256x160xbf16, #tpu.memory_space<vmem>>)
      %mul3A_123 = arith.constant 2 : i32
      %mul3A_124 = arith.muli %mul3A_101, %mul3A_123 : i32
      %add3A_125 = arith.addi %sub3A, %mul3A_124 : i32
      %add3A_126 = arith.constant 0 : i32
      %add3A_127 = arith.addi %add3A_125, %add3A_126 : i32
      %mul3A_128 = arith.constant 128 : i32
      %mul3A_129 = arith.muli %add3A_127, %mul3A_128 : i32
      %run_scoped3A = arith.constant 0 : i32
      "tpu.region"() ({
        %run_scoped3A_134 = tpu.sem_alloc : memref<!tpu.dma_semaphore, #tpu.memory_space<semaphore_mem>>
        %dma_start3A = arith.constant 0 : i32
        %dma_start3A_135 = arith.constant 0 : i32
        %dma_start3A_136 = tpu.memref_slice %arg9[%run_scoped3A, %dma_start3A, %dma_start3A_135] : memref<2x256x160xbf16, #tpu.memory_space<vmem>> -> memref<1x256x160xbf16, #tpu.memory_space<vmem>>
        %dma_start3A_137 = tpu.memref_squeeze %dma_start3A_136 : memref<1x256x160xbf16, #tpu.memory_space<vmem>> -> memref<256x160xbf16, #tpu.memory_space<vmem>>
        %dma_start3A_138 = arith.constant 0 : i32
        %dma_start3A_139 = arith.constant 0 : i32
        %dma_start3A_140 = tpu.memref_slice %dma_start3A_137[%dma_start3A_138, %dma_start3A_139] : memref<256x160xbf16, #tpu.memory_space<vmem>> -> memref<256x160xbf16, #tpu.memory_space<vmem>>
        %dma_start3A_141 = tpu.memref_slice %arg8[%mul3A_129] : memref<10112xi32, #tpu.memory_space<vmem>> -> memref<256xi32, #tpu.memory_space<vmem>>
        %dma_start3A_142 = arith.constant 0 : i32
        %dma_start3A_143 = arith.constant 0 : i32
        %dma_start3A_144 = tpu.memref_slice %arg10[%dma_start3A_142, %dma_start3A_143] : memref<10240x160xbf16, #tpu.memory_space<vmem_shared>> -> memref<10240x160xbf16, #tpu.memory_space<vmem_shared>>
        tpu.enqueue_indirect_dma source(%dma_start3A_140 : memref<256x160xbf16, #tpu.memory_space<vmem>>) target(%dma_start3A_144 : memref<10240x160xbf16, #tpu.memory_space<vmem_shared>>) offsets(%dma_start3A_141 : memref<256xi32, #tpu.memory_space<vmem>>) semaphore(%run_scoped3A_134 : memref<!tpu.dma_semaphore, #tpu.memory_space<semaphore_mem>>) {add = true}
        %dma_wait3A_145 = arith.constant 0 : i32
        %dma_wait3A_146 = arith.constant 0 : i32
        %dma_wait3A_147 = tpu.memref_slice %arg9[%run_scoped3A, %dma_wait3A_145, %dma_wait3A_146] : memref<2x256x160xbf16, #tpu.memory_space<vmem>> -> memref<1x256x160xbf16, #tpu.memory_space<vmem>>
        %dma_wait3A_148 = tpu.memref_squeeze %dma_wait3A_147 : memref<1x256x160xbf16, #tpu.memory_space<vmem>> -> memref<256x160xbf16, #tpu.memory_space<vmem>>
        %dma_wait3A_149 = arith.constant 0 : i32
        %dma_wait3A_150 = arith.constant 0 : i32
        %dma_wait3A_151 = tpu.memref_slice %dma_wait3A_148[%dma_wait3A_149, %dma_wait3A_150] : memref<256x160xbf16, #tpu.memory_space<vmem>> -> memref<256x160xbf16, #tpu.memory_space<vmem>>
        %dma_wait3A_152 = tpu.memref_slice %arg8[%mul3A_129] : memref<10112xi32, #tpu.memory_space<vmem>> -> memref<256xi32, #tpu.memory_space<vmem>>
        %dma_wait3A_153 = arith.constant 0 : i32
        %dma_wait3A_154 = arith.constant 0 : i32
        %dma_wait3A_155 = tpu.memref_slice %arg10[%dma_wait3A_153, %dma_wait3A_154] : memref<10240x160xbf16, #tpu.memory_space<vmem_shared>> -> memref<10240x160xbf16, #tpu.memory_space<vmem_shared>>
        tpu.wait_indirect_dma semaphore(%run_scoped3A_134 : memref<!tpu.dma_semaphore, #tpu.memory_space<semaphore_mem>>) src(%dma_wait3A_151 : memref<256x160xbf16, #tpu.memory_space<vmem>>) dst(%dma_wait3A_155 : memref<10240x160xbf16, #tpu.memory_space<vmem_shared>>)
        tpu.yield
      }) : () -> ()
      %lt3A_130 = arith.cmpi slt, %add3A_105, %select_n3A_42 : i32
      %convert_element_type3A_131 = arith.extui %lt3A_130 : i1 to i32
      %cond3A_132 = arith.constant 0 : i32
      %cond3A_133 = arith.cmpi ne, %convert_element_type3A_131, %cond3A_132 : i32
      scf.if %cond3A_133 {
        %add3A_134 = arith.constant 1 : i32
        %add3A_135 = arith.addi %add3A_105, %add3A_134 : i32
        %lt3A_136 = arith.cmpi slt, %add3A_135, %select_n3A_42 : i32
        %convert_element_type3A_137 = arith.extui %lt3A_136 : i1 to i32
        %cond3A_138 = arith.constant 0 : i32
        %cond3A_139 = arith.cmpi ne, %convert_element_type3A_137, %cond3A_138 : i32
        scf.if %cond3A_139 {
          %add3A_162 = arith.constant 1 : i32
          %add3A_163 = arith.addi %add3A_105, %add3A_162 : i32
          %mul3A_164 = arith.constant 2 : i32
          %mul3A_165 = arith.muli %add3A_163, %mul3A_164 : i32
          %add3A_166 = arith.addi %sub3A, %mul3A_165 : i32
          %mul3A_167 = arith.constant 128 : i32
          %mul3A_168 = arith.muli %add3A_166, %mul3A_167 : i32
          %dma_start3A = arith.constant 0 : i32
          %dma_start3A_169 = arith.constant 0 : i32
          %dma_start3A_170 = arith.constant 0 : i32
          %dma_start3A_171 = tpu.memref_slice %arg9[%dma_start3A, %dma_start3A_169, %dma_start3A_170] : memref<2x256x160xbf16, #tpu.memory_space<vmem>> -> memref<1x256x160xbf16, #tpu.memory_space<vmem>>
          %dma_start3A_172 = tpu.memref_squeeze %dma_start3A_171 : memref<1x256x160xbf16, #tpu.memory_space<vmem>> -> memref<256x160xbf16, #tpu.memory_space<vmem>>
          %dma_start3A_173 = tpu.memref_slice %arg7[%mul3A_168] : memref<10112xi32, #tpu.memory_space<vmem>> -> memref<256xi32, #tpu.memory_space<vmem>>
          %dma_start3A_174 = arith.constant 0 : i32
          %dma_start3A_175 = arith.constant 0 : i32
          %dma_start3A_176 = tpu.memref_slice %arg2[%dma_start3A_174, %dma_start3A_175] : memref<10000x160xbf16, #tpu.memory_space<hbm>> -> memref<10000x160xbf16, #tpu.memory_space<hbm>>
          tpu.enqueue_indirect_dma source(%dma_start3A_176 : memref<10000x160xbf16, #tpu.memory_space<hbm>>) target(%dma_start3A_172 : memref<256x160xbf16, #tpu.memory_space<vmem>>) offsets(%dma_start3A_173 : memref<256xi32, #tpu.memory_space<vmem>>) semaphore(%arg11 : memref<!tpu.dma_semaphore, #tpu.memory_space<semaphore_mem>>)
        } else {
        }
        %mul3A_140 = arith.constant 2 : i32
        %mul3A_141 = arith.muli %add3A_105, %mul3A_140 : i32
        %add3A_142 = arith.addi %sub3A, %mul3A_141 : i32
        %mul3A_143 = arith.constant 128 : i32
        %mul3A_144 = arith.muli %add3A_142, %mul3A_143 : i32
        %dma_wait3A_145 = arith.constant 1 : i32
        %dma_wait3A_146 = arith.constant 0 : i32
        %dma_wait3A_147 = arith.constant 0 : i32
        %dma_wait3A_148 = tpu.memref_slice %arg9[%dma_wait3A_145, %dma_wait3A_146, %dma_wait3A_147] : memref<2x256x160xbf16, #tpu.memory_space<vmem>> -> memref<1x256x160xbf16, #tpu.memory_space<vmem>>
        %dma_wait3A_149 = tpu.memref_squeeze %dma_wait3A_148 : memref<1x256x160xbf16, #tpu.memory_space<vmem>> -> memref<256x160xbf16, #tpu.memory_space<vmem>>
        %dma_wait3A_150 = tpu.memref_slice %arg7[%mul3A_144] : memref<10112xi32, #tpu.memory_space<vmem>> -> memref<256xi32, #tpu.memory_space<vmem>>
        %dma_wait3A_151 = arith.constant 0 : i32
        %dma_wait3A_152 = arith.constant 0 : i32
        %dma_wait3A_153 = tpu.memref_slice %arg2[%dma_wait3A_151, %dma_wait3A_152] : memref<10000x160xbf16, #tpu.memory_space<hbm>> -> memref<10000x160xbf16, #tpu.memory_space<hbm>>
        tpu.wait_indirect_dma semaphore(%arg12 : memref<!tpu.dma_semaphore, #tpu.memory_space<semaphore_mem>>) src(%dma_wait3A_153 : memref<10000x160xbf16, #tpu.memory_space<hbm>>) dst(%dma_wait3A_149 : memref<256x160xbf16, #tpu.memory_space<vmem>>)
        %mul3A_154 = arith.constant 2 : i32
        %mul3A_155 = arith.muli %add3A_105, %mul3A_154 : i32
        %add3A_156 = arith.addi %sub3A, %mul3A_155 : i32
        %add3A_157 = arith.constant 0 : i32
        %add3A_158 = arith.addi %add3A_156, %add3A_157 : i32
        %mul3A_159 = arith.constant 128 : i32
        %mul3A_160 = arith.muli %add3A_158, %mul3A_159 : i32
        %run_scoped3A_161 = arith.constant 1 : i32
        "tpu.region"() ({
          %run_scoped3A_162 = tpu.sem_alloc : memref<!tpu.dma_semaphore, #tpu.memory_space<semaphore_mem>>
          %dma_start3A = arith.constant 0 : i32
          %dma_start3A_163 = arith.constant 0 : i32
          %dma_start3A_164 = tpu.memref_slice %arg9[%run_scoped3A_161, %dma_start3A, %dma_start3A_163] : memref<2x256x160xbf16, #tpu.memory_space<vmem>> -> memref<1x256x160xbf16, #tpu.memory_space<vmem>>
          %dma_start3A_165 = tpu.memref_squeeze %dma_start3A_164 : memref<1x256x160xbf16, #tpu.memory_space<vmem>> -> memref<256x160xbf16, #tpu.memory_space<vmem>>
          %dma_start3A_166 = arith.constant 0 : i32
          %dma_start3A_167 = arith.constant 0 : i32
          %dma_start3A_168 = tpu.memref_slice %dma_start3A_165[%dma_start3A_166, %dma_start3A_167] : memref<256x160xbf16, #tpu.memory_space<vmem>> -> memref<256x160xbf16, #tpu.memory_space<vmem>>
          %dma_start3A_169 = tpu.memref_slice %arg8[%mul3A_160] : memref<10112xi32, #tpu.memory_space<vmem>> -> memref<256xi32, #tpu.memory_space<vmem>>
          %dma_start3A_170 = arith.constant 0 : i32
          %dma_start3A_171 = arith.constant 0 : i32
          %dma_start3A_172 = tpu.memref_slice %arg10[%dma_start3A_170, %dma_start3A_171] : memref<10240x160xbf16, #tpu.memory_space<vmem_shared>> -> memref<10240x160xbf16, #tpu.memory_space<vmem_shared>>
          tpu.enqueue_indirect_dma source(%dma_start3A_168 : memref<256x160xbf16, #tpu.memory_space<vmem>>) target(%dma_start3A_172 : memref<10240x160xbf16, #tpu.memory_space<vmem_shared>>) offsets(%dma_start3A_169 : memref<256xi32, #tpu.memory_space<vmem>>) semaphore(%run_scoped3A_162 : memref<!tpu.dma_semaphore, #tpu.memory_space<semaphore_mem>>) {add = true}
          %dma_wait3A_173 = arith.constant 0 : i32
          %dma_wait3A_174 = arith.constant 0 : i32
          %dma_wait3A_175 = tpu.memref_slice %arg9[%run_scoped3A_161, %dma_wait3A_173, %dma_wait3A_174] : memref<2x256x160xbf16, #tpu.memory_space<vmem>> -> memref<1x256x160xbf16, #tpu.memory_space<vmem>>
          %dma_wait3A_176 = tpu.memref_squeeze %dma_wait3A_175 : memref<1x256x160xbf16, #tpu.memory_space<vmem>> -> memref<256x160xbf16, #tpu.memory_space<vmem>>
          %dma_wait3A_177 = arith.constant 0 : i32
          %dma_wait3A_178 = arith.constant 0 : i32
          %dma_wait3A_179 = tpu.memref_slice %dma_wait3A_176[%dma_wait3A_177, %dma_wait3A_178] : memref<256x160xbf16, #tpu.memory_space<vmem>> -> memref<256x160xbf16, #tpu.memory_space<vmem>>
          %dma_wait3A_180 = tpu.memref_slice %arg8[%mul3A_160] : memref<10112xi32, #tpu.memory_space<vmem>> -> memref<256xi32, #tpu.memory_space<vmem>>
          %dma_wait3A_181 = arith.constant 0 : i32
          %dma_wait3A_182 = arith.constant 0 : i32
          %dma_wait3A_183 = tpu.memref_slice %arg10[%dma_wait3A_181, %dma_wait3A_182] : memref<10240x160xbf16, #tpu.memory_space<vmem_shared>> -> memref<10240x160xbf16, #tpu.memory_space<vmem_shared>>
          tpu.wait_indirect_dma semaphore(%run_scoped3A_162 : memref<!tpu.dma_semaphore, #tpu.memory_space<semaphore_mem>>) src(%dma_wait3A_179 : memref<256x160xbf16, #tpu.memory_space<vmem>>) dst(%dma_wait3A_183 : memref<10240x160xbf16, #tpu.memory_space<vmem_shared>>)
          tpu.yield
        }) : () -> ()
      } else {
      }
    }
    %mul3A_81 = arith.constant 2 : i32
    %mul3A_82 = arith.muli %select_n3A_42, %mul3A_81 : i32
    %while3A_83 = arith.constant 0 : i32
    %while3A_84 = arith.subi %select_n3A_17, %mul3A_82 : i32
    %while3A_85 = arith.addi %mul3A_82, %while3A_84 : i32
    %while3A_86 = arith.constant 1 : i32
    %while3A_87 = arith.divsi %while3A_84, %while3A_86 : i32
    %while3A_88 = arith.muli %while3A_87, %while3A_86 : i32
    %while3A_89 = arith.addi %mul3A_82, %while3A_88 : i32
    %while3A_90 = arith.constant 1 : i32
    scf.for %while3A_99 = %mul3A_82 to %while3A_89 step %while3A_90  : i32 {
      %add3A_100 = arith.addi %sub3A, %while3A_99 : i32
      %mul3A_101 = arith.constant 128 : i32
      %mul3A_102 = arith.muli %add3A_100, %mul3A_101 : i32
      %dma_start3A = arith.constant 0 : i32
      %dma_start3A_103 = arith.constant 0 : i32
      %dma_start3A_104 = arith.constant 0 : i32
      %dma_start3A_105 = tpu.memref_slice %arg9[%dma_start3A, %dma_start3A_103, %dma_start3A_104] : memref<2x256x160xbf16, #tpu.memory_space<vmem>> -> memref<1x256x160xbf16, #tpu.memory_space<vmem>>
      %dma_start3A_106 = tpu.memref_squeeze %dma_start3A_105 : memref<1x256x160xbf16, #tpu.memory_space<vmem>> -> memref<256x160xbf16, #tpu.memory_space<vmem>>
      %dma_start3A_107 = arith.constant 0 : i32
      %dma_start3A_108 = arith.constant 0 : i32
      %dma_start3A_109 = tpu.memref_slice %dma_start3A_106[%dma_start3A_107, %dma_start3A_108] : memref<256x160xbf16, #tpu.memory_space<vmem>> -> memref<128x160xbf16, #tpu.memory_space<vmem>>
      %dma_start3A_110 = tpu.memref_slice %arg7[%mul3A_102] : memref<10112xi32, #tpu.memory_space<vmem>> -> memref<128xi32, #tpu.memory_space<vmem>>
      %dma_start3A_111 = arith.constant 0 : i32
      %dma_start3A_112 = arith.constant 0 : i32
      %dma_start3A_113 = tpu.memref_slice %arg2[%dma_start3A_111, %dma_start3A_112] : memref<10000x160xbf16, #tpu.memory_space<hbm>> -> memref<10000x160xbf16, #tpu.memory_space<hbm>>
      tpu.enqueue_indirect_dma source(%dma_start3A_113 : memref<10000x160xbf16, #tpu.memory_space<hbm>>) target(%dma_start3A_109 : memref<128x160xbf16, #tpu.memory_space<vmem>>) offsets(%dma_start3A_110 : memref<128xi32, #tpu.memory_space<vmem>>) semaphore(%arg11 : memref<!tpu.dma_semaphore, #tpu.memory_space<semaphore_mem>>)
      %dma_wait3A = arith.constant 0 : i32
      %dma_wait3A_114 = arith.constant 0 : i32
      %dma_wait3A_115 = arith.constant 0 : i32
      %dma_wait3A_116 = tpu.memref_slice %arg9[%dma_wait3A, %dma_wait3A_114, %dma_wait3A_115] : memref<2x256x160xbf16, #tpu.memory_space<vmem>> -> memref<1x256x160xbf16, #tpu.memory_space<vmem>>
      %dma_wait3A_117 = tpu.memref_squeeze %dma_wait3A_116 : memref<1x256x160xbf16, #tpu.memory_space<vmem>> -> memref<256x160xbf16, #tpu.memory_space<vmem>>
      %dma_wait3A_118 = arith.constant 0 : i32
      %dma_wait3A_119 = arith.constant 0 : i32
      %dma_wait3A_120 = tpu.memref_slice %dma_wait3A_117[%dma_wait3A_118, %dma_wait3A_119] : memref<256x160xbf16, #tpu.memory_space<vmem>> -> memref<128x160xbf16, #tpu.memory_space<vmem>>
      %dma_wait3A_121 = tpu.memref_slice %arg7[%mul3A_102] : memref<10112xi32, #tpu.memory_space<vmem>> -> memref<128xi32, #tpu.memory_space<vmem>>
      %dma_wait3A_122 = arith.constant 0 : i32
      %dma_wait3A_123 = arith.constant 0 : i32
      %dma_wait3A_124 = tpu.memref_slice %arg2[%dma_wait3A_122, %dma_wait3A_123] : memref<10000x160xbf16, #tpu.memory_space<hbm>> -> memref<10000x160xbf16, #tpu.memory_space<hbm>>
      tpu.wait_indirect_dma semaphore(%arg11 : memref<!tpu.dma_semaphore, #tpu.memory_space<semaphore_mem>>) src(%dma_wait3A_124 : memref<10000x160xbf16, #tpu.memory_space<hbm>>) dst(%dma_wait3A_120 : memref<128x160xbf16, #tpu.memory_space<vmem>>)
      %add3A_125 = arith.addi %sub3A, %while3A_99 : i32
      %mul3A_126 = arith.constant 128 : i32
      %mul3A_127 = arith.muli %add3A_125, %mul3A_126 : i32
      %run_scoped3A = arith.constant 0 : i32
      "tpu.region"() ({
        %run_scoped3A_128 = tpu.sem_alloc : memref<!tpu.dma_semaphore, #tpu.memory_space<semaphore_mem>>
        %dma_start3A_129 = arith.constant 0 : i32
        %dma_start3A_130 = arith.constant 0 : i32
        %dma_start3A_131 = tpu.memref_slice %arg9[%run_scoped3A, %dma_start3A_129, %dma_start3A_130] : memref<2x256x160xbf16, #tpu.memory_space<vmem>> -> memref<1x256x160xbf16, #tpu.memory_space<vmem>>
        %dma_start3A_132 = tpu.memref_squeeze %dma_start3A_131 : memref<1x256x160xbf16, #tpu.memory_space<vmem>> -> memref<256x160xbf16, #tpu.memory_space<vmem>>
        %dma_start3A_133 = arith.constant 0 : i32
        %dma_start3A_134 = arith.constant 0 : i32
        %dma_start3A_135 = tpu.memref_slice %dma_start3A_132[%dma_start3A_133, %dma_start3A_134] : memref<256x160xbf16, #tpu.memory_space<vmem>> -> memref<128x160xbf16, #tpu.memory_space<vmem>>
        %dma_start3A_136 = tpu.memref_slice %arg8[%mul3A_127] : memref<10112xi32, #tpu.memory_space<vmem>> -> memref<128xi32, #tpu.memory_space<vmem>>
        %dma_start3A_137 = arith.constant 0 : i32
        %dma_start3A_138 = arith.constant 0 : i32
        %dma_start3A_139 = tpu.memref_slice %arg10[%dma_start3A_137, %dma_start3A_138] : memref<10240x160xbf16, #tpu.memory_space<vmem_shared>> -> memref<10240x160xbf16, #tpu.memory_space<vmem_shared>>
        tpu.enqueue_indirect_dma source(%dma_start3A_135 : memref<128x160xbf16, #tpu.memory_space<vmem>>) target(%dma_start3A_139 : memref<10240x160xbf16, #tpu.memory_space<vmem_shared>>) offsets(%dma_start3A_136 : memref<128xi32, #tpu.memory_space<vmem>>) semaphore(%run_scoped3A_128 : memref<!tpu.dma_semaphore, #tpu.memory_space<semaphore_mem>>) {add = true}
        %dma_wait3A_140 = arith.constant 0 : i32
        %dma_wait3A_141 = arith.constant 0 : i32
        %dma_wait3A_142 = tpu.memref_slice %arg9[%run_scoped3A, %dma_wait3A_140, %dma_wait3A_141] : memref<2x256x160xbf16, #tpu.memory_space<vmem>> -> memref<1x256x160xbf16, #tpu.memory_space<vmem>>
        %dma_wait3A_143 = tpu.memref_squeeze %dma_wait3A_142 : memref<1x256x160xbf16, #tpu.memory_space<vmem>> -> memref<256x160xbf16, #tpu.memory_space<vmem>>
        %dma_wait3A_144 = arith.constant 0 : i32
        %dma_wait3A_145 = arith.constant 0 : i32
        %dma_wait3A_146 = tpu.memref_slice %dma_wait3A_143[%dma_wait3A_144, %dma_wait3A_145] : memref<256x160xbf16, #tpu.memory_space<vmem>> -> memref<128x160xbf16, #tpu.memory_space<vmem>>
        %dma_wait3A_147 = tpu.memref_slice %arg8[%mul3A_127] : memref<10112xi32, #tpu.memory_space<vmem>> -> memref<128xi32, #tpu.memory_space<vmem>>
        %dma_wait3A_148 = arith.constant 0 : i32
        %dma_wait3A_149 = arith.constant 0 : i32
        %dma_wait3A_150 = tpu.memref_slice %arg10[%dma_wait3A_148, %dma_wait3A_149] : memref<10240x160xbf16, #tpu.memory_space<vmem_shared>> -> memref<10240x160xbf16, #tpu.memory_space<vmem_shared>>
        tpu.wait_indirect_dma semaphore(%run_scoped3A_128 : memref<!tpu.dma_semaphore, #tpu.memory_space<semaphore_mem>>) src(%dma_wait3A_146 : memref<128x160xbf16, #tpu.memory_space<vmem>>) dst(%dma_wait3A_150 : memref<10240x160xbf16, #tpu.memory_space<vmem_shared>>)
        tpu.yield
      }) : () -> ()
    }
    %while3A_91 = arith.constant 1 : i32
    scf.for %while3A_99 = %while3A_89 to %while3A_85 step %while3A_91  : i32 {
      %add3A_100 = arith.addi %sub3A, %while3A_99 : i32
      %mul3A_101 = arith.constant 128 : i32
      %mul3A_102 = arith.muli %add3A_100, %mul3A_101 : i32
      %dma_start3A = arith.constant 0 : i32
      %dma_start3A_103 = arith.constant 0 : i32
      %dma_start3A_104 = arith.constant 0 : i32
      %dma_start3A_105 = tpu.memref_slice %arg9[%dma_start3A, %dma_start3A_103, %dma_start3A_104] : memref<2x256x160xbf16, #tpu.memory_space<vmem>> -> memref<1x256x160xbf16, #tpu.memory_space<vmem>>
      %dma_start3A_106 = tpu.memref_squeeze %dma_start3A_105 : memref<1x256x160xbf16, #tpu.memory_space<vmem>> -> memref<256x160xbf16, #tpu.memory_space<vmem>>
      %dma_start3A_107 = arith.constant 0 : i32
      %dma_start3A_108 = arith.constant 0 : i32
      %dma_start3A_109 = tpu.memref_slice %dma_start3A_106[%dma_start3A_107, %dma_start3A_108] : memref<256x160xbf16, #tpu.memory_space<vmem>> -> memref<128x160xbf16, #tpu.memory_space<vmem>>
      %dma_start3A_110 = tpu.memref_slice %arg7[%mul3A_102] : memref<10112xi32, #tpu.memory_space<vmem>> -> memref<128xi32, #tpu.memory_space<vmem>>
      %dma_start3A_111 = arith.constant 0 : i32
      %dma_start3A_112 = arith.constant 0 : i32
      %dma_start3A_113 = tpu.memref_slice %arg2[%dma_start3A_111, %dma_start3A_112] : memref<10000x160xbf16, #tpu.memory_space<hbm>> -> memref<10000x160xbf16, #tpu.memory_space<hbm>>
      tpu.enqueue_indirect_dma source(%dma_start3A_113 : memref<10000x160xbf16, #tpu.memory_space<hbm>>) target(%dma_start3A_109 : memref<128x160xbf16, #tpu.memory_space<vmem>>) offsets(%dma_start3A_110 : memref<128xi32, #tpu.memory_space<vmem>>) semaphore(%arg11 : memref<!tpu.dma_semaphore, #tpu.memory_space<semaphore_mem>>)
      %dma_wait3A = arith.constant 0 : i32
      %dma_wait3A_114 = arith.constant 0 : i32
      %dma_wait3A_115 = arith.constant 0 : i32
      %dma_wait3A_116 = tpu.memref_slice %arg9[%dma_wait3A, %dma_wait3A_114, %dma_wait3A_115] : memref<2x256x160xbf16, #tpu.memory_space<vmem>> -> memref<1x256x160xbf16, #tpu.memory_space<vmem>>
      %dma_wait3A_117 = tpu.memref_squeeze %dma_wait3A_116 : memref<1x256x160xbf16, #tpu.memory_space<vmem>> -> memref<256x160xbf16, #tpu.memory_space<vmem>>
      %dma_wait3A_118 = arith.constant 0 : i32
      %dma_wait3A_119 = arith.constant 0 : i32
      %dma_wait3A_120 = tpu.memref_slice %dma_wait3A_117[%dma_wait3A_118, %dma_wait3A_119] : memref<256x160xbf16, #tpu.memory_space<vmem>> -> memref<128x160xbf16, #tpu.memory_space<vmem>>
      %dma_wait3A_121 = tpu.memref_slice %arg7[%mul3A_102] : memref<10112xi32, #tpu.memory_space<vmem>> -> memref<128xi32, #tpu.memory_space<vmem>>
      %dma_wait3A_122 = arith.constant 0 : i32
      %dma_wait3A_123 = arith.constant 0 : i32
      %dma_wait3A_124 = tpu.memref_slice %arg2[%dma_wait3A_122, %dma_wait3A_123] : memref<10000x160xbf16, #tpu.memory_space<hbm>> -> memref<10000x160xbf16, #tpu.memory_space<hbm>>
      tpu.wait_indirect_dma semaphore(%arg11 : memref<!tpu.dma_semaphore, #tpu.memory_space<semaphore_mem>>) src(%dma_wait3A_124 : memref<10000x160xbf16, #tpu.memory_space<hbm>>) dst(%dma_wait3A_120 : memref<128x160xbf16, #tpu.memory_space<vmem>>)
      %add3A_125 = arith.addi %sub3A, %while3A_99 : i32
      %mul3A_126 = arith.constant 128 : i32
      %mul3A_127 = arith.muli %add3A_125, %mul3A_126 : i32
      %run_scoped3A = arith.constant 0 : i32
      "tpu.region"() ({
        %run_scoped3A_128 = tpu.sem_alloc : memref<!tpu.dma_semaphore, #tpu.memory_space<semaphore_mem>>
        %dma_start3A_129 = arith.constant 0 : i32
        %dma_start3A_130 = arith.constant 0 : i32
        %dma_start3A_131 = tpu.memref_slice %arg9[%run_scoped3A, %dma_start3A_129, %dma_start3A_130] : memref<2x256x160xbf16, #tpu.memory_space<vmem>> -> memref<1x256x160xbf16, #tpu.memory_space<vmem>>
        %dma_start3A_132 = tpu.memref_squeeze %dma_start3A_131 : memref<1x256x160xbf16, #tpu.memory_space<vmem>> -> memref<256x160xbf16, #tpu.memory_space<vmem>>
        %dma_start3A_133 = arith.constant 0 : i32
        %dma_start3A_134 = arith.constant 0 : i32
        %dma_start3A_135 = tpu.memref_slice %dma_start3A_132[%dma_start3A_133, %dma_start3A_134] : memref<256x160xbf16, #tpu.memory_space<vmem>> -> memref<128x160xbf16, #tpu.memory_space<vmem>>
        %dma_start3A_136 = tpu.memref_slice %arg8[%mul3A_127] : memref<10112xi32, #tpu.memory_space<vmem>> -> memref<128xi32, #tpu.memory_space<vmem>>
        %dma_start3A_137 = arith.constant 0 : i32
        %dma_start3A_138 = arith.constant 0 : i32
        %dma_start3A_139 = tpu.memref_slice %arg10[%dma_start3A_137, %dma_start3A_138] : memref<10240x160xbf16, #tpu.memory_space<vmem_shared>> -> memref<10240x160xbf16, #tpu.memory_space<vmem_shared>>
        tpu.enqueue_indirect_dma source(%dma_start3A_135 : memref<128x160xbf16, #tpu.memory_space<vmem>>) target(%dma_start3A_139 : memref<10240x160xbf16, #tpu.memory_space<vmem_shared>>) offsets(%dma_start3A_136 : memref<128xi32, #tpu.memory_space<vmem>>) semaphore(%run_scoped3A_128 : memref<!tpu.dma_semaphore, #tpu.memory_space<semaphore_mem>>) {add = true}
        %dma_wait3A_140 = arith.constant 0 : i32
        %dma_wait3A_141 = arith.constant 0 : i32
        %dma_wait3A_142 = tpu.memref_slice %arg9[%run_scoped3A, %dma_wait3A_140, %dma_wait3A_141] : memref<2x256x160xbf16, #tpu.memory_space<vmem>> -> memref<1x256x160xbf16, #tpu.memory_space<vmem>>
        %dma_wait3A_143 = tpu.memref_squeeze %dma_wait3A_142 : memref<1x256x160xbf16, #tpu.memory_space<vmem>> -> memref<256x160xbf16, #tpu.memory_space<vmem>>
        %dma_wait3A_144 = arith.constant 0 : i32
        %dma_wait3A_145 = arith.constant 0 : i32
        %dma_wait3A_146 = tpu.memref_slice %dma_wait3A_143[%dma_wait3A_144, %dma_wait3A_145] : memref<256x160xbf16, #tpu.memory_space<vmem>> -> memref<128x160xbf16, #tpu.memory_space<vmem>>
        %dma_wait3A_147 = tpu.memref_slice %arg8[%mul3A_127] : memref<10112xi32, #tpu.memory_space<vmem>> -> memref<128xi32, #tpu.memory_space<vmem>>
        %dma_wait3A_148 = arith.constant 0 : i32
        %dma_wait3A_149 = arith.constant 0 : i32
        %dma_wait3A_150 = tpu.memref_slice %arg10[%dma_wait3A_148, %dma_wait3A_149] : memref<10240x160xbf16, #tpu.memory_space<vmem_shared>> -> memref<10240x160xbf16, #tpu.memory_space<vmem_shared>>
        tpu.wait_indirect_dma semaphore(%run_scoped3A_128 : memref<!tpu.dma_semaphore, #tpu.memory_space<semaphore_mem>>) src(%dma_wait3A_146 : memref<128x160xbf16, #tpu.memory_space<vmem>>) dst(%dma_wait3A_150 : memref<10240x160xbf16, #tpu.memory_space<vmem_shared>>)
        tpu.yield
      }) : () -> ()
    }
    %barrier3A_92 = arith.constant 0 : index
    tpu.barrier barrier_id(%barrier3A_92)
    %scan3A_93 = arith.constant 0 : i32
    %scan3A_94 = arith.constant 0 : i32
    %scan3A_95 = arith.constant 5 : i32
    %scan3A_96 = arith.addi %scan3A_94, %scan3A_95 : i32
    %scan3A_97 = arith.constant 1 : i32
    scf.for %scan3A_99 = %scan3A_94 to %scan3A_96 step %scan3A_97  : i32 {
      %mul3A_100 = arith.constant 5 : i32
      %mul3A_101 = arith.muli %arg1, %mul3A_100 : i32
      %add3A_102 = arith.addi %mul3A_101, %scan3A_99 : i32
      %mul3A_103 = arith.constant 128 : i32
      %mul3A_104 = arith.muli %add3A_102, %mul3A_103 : i32
      "tpu.region"() ({
        %run_scoped3A = tpu.sem_alloc : memref<!tpu.dma_semaphore, #tpu.memory_space<semaphore_mem>>
        %dma_start3A = arith.constant 0 : i32
        %dma_start3A_105 = tpu.memref_slice %arg6[%arg0, %mul3A_104, %dma_start3A] : memref<2x10240x160xbf16, #tpu.memory_space<hbm>> -> memref<1x128x160xbf16, #tpu.memory_space<hbm>>
        %dma_start3A_106 = tpu.memref_squeeze %dma_start3A_105 : memref<1x128x160xbf16, #tpu.memory_space<hbm>> -> memref<128x160xbf16, #tpu.memory_space<hbm>>
        %dma_start3A_107 = arith.constant 0 : i32
        %dma_start3A_108 = tpu.memref_slice %arg10[%mul3A_104, %dma_start3A_107] : memref<10240x160xbf16, #tpu.memory_space<vmem_shared>> -> memref<128x160xbf16, #tpu.memory_space<vmem_shared>>
        tpu.enqueue_dma source(%dma_start3A_108 : memref<128x160xbf16, #tpu.memory_space<vmem_shared>>) target(%dma_start3A_106 : memref<128x160xbf16, #tpu.memory_space<hbm>>) target_semaphore(%run_scoped3A : memref<!tpu.dma_semaphore, #tpu.memory_space<semaphore_mem>>)
        %dma_wait3A = arith.constant 0 : i32
        %dma_wait3A_109 = tpu.memref_slice %arg6[%arg0, %mul3A_104, %dma_wait3A] : memref<2x10240x160xbf16, #tpu.memory_space<hbm>> -> memref<1x128x160xbf16, #tpu.memory_space<hbm>>
        %dma_wait3A_110 = tpu.memref_squeeze %dma_wait3A_109 : memref<1x128x160xbf16, #tpu.memory_space<hbm>> -> memref<128x160xbf16, #tpu.memory_space<hbm>>
        %dma_wait3A_111 = arith.constant 0 : i32
        %dma_wait3A_112 = tpu.memref_slice %arg10[%mul3A_104, %dma_wait3A_111] : memref<10240x160xbf16, #tpu.memory_space<vmem_shared>> -> memref<128x160xbf16, #tpu.memory_space<vmem_shared>>
        tpu.wait_dma2 semaphore(%run_scoped3A : memref<!tpu.dma_semaphore, #tpu.memory_space<semaphore_mem>>) src(%dma_wait3A_112 : memref<128x160xbf16, #tpu.memory_space<vmem_shared>>) dst(%dma_wait3A_110 : memref<128x160xbf16, #tpu.memory_space<hbm>>)
        tpu.yield
      }) : () -> ()
    }
    %scan3A_98 = arith.constant 5 : i32
    return
  }
}

module attributes {stable_mosaic.version = 14 : i64} {
  func.func @_matmul_kernel(%arg0: i32, %arg1: memref<1000x128xf32, #tpu.memory_space<vmem>>, %arg2: memref<128x128xf32, #tpu.memory_space<vmem>>, %arg3: memref<1x128xf32, #tpu.memory_space<vmem>>, %arg4: memref<1000x160xbf16, #tpu.memory_space<vmem>>) attributes {dimension_semantics = [#tpu.dimension_semantics<arbitrary>], iteration_bounds = array<i64: 10>, scalar_prefetch = 0 : i64, scratch_operands = 0 : i64, tpu.core_type = #tpu.core_type<tc>, window_params = [{transform_indices = @transform_0, window_bounds = array<i64: 1000, 128>}, {pipeline_mode = #tpu.pipeline_mode<synchronous>, transform_indices = @transform_1, window_bounds = array<i64: 128, 128>}, {pipeline_mode = #tpu.pipeline_mode<synchronous>, transform_indices = @transform_2, window_bounds = array<i64: 1, 128>}, {transform_indices = @transform_3, window_bounds = array<i64: 1000, 160>}]} {
    %get3A = arith.constant 0 : index
    %get3A_0 = arith.constant 0 : index
    %get3A_1 = vector.load %arg1[%get3A, %get3A_0] : memref<1000x128xf32, #tpu.memory_space<vmem>>, vector<1000x128xf32>
    %get3A_2 = arith.constant 0 : index
    %get3A_3 = arith.constant 0 : index
    %get3A_4 = vector.load %arg2[%get3A_2, %get3A_3] : memref<128x128xf32, #tpu.memory_space<vmem>>, vector<128x128xf32>
    %dot_general3A = arith.constant dense<0.000000e+00> : vector<1000x128xf32>
    %dot_general3A_5 = tpu.matmul %get3A_1, %get3A_4, %dot_general3A {dimension_numbers = #tpu.dot_dimension_numbers<[1], [0], [0], [1], [0, 0, 1, 1], [], []>, transpose_lhs_hint = false} : vector<1000x128xf32>, vector<128x128xf32>, vector<1000x128xf32> -> vector<1000x128xf32>
    %get3A_6 = arith.constant 0 : index
    %get3A_7 = arith.constant 0 : index
    %get3A_8 = vector.load %arg3[%get3A_6, %get3A_7] : memref<1x128xf32, #tpu.memory_space<vmem>>, vector<1x128xf32>
    %add3A = vector.broadcast %get3A_8 : vector<1x128xf32> to vector<1000x128xf32>
    %add3A_9 = arith.addf %dot_general3A_5, %add3A : vector<1000x128xf32>
    %broadcast_in_dim3A = arith.constant 1.000000e+00 : f32
    %broadcast_in_dim3A_10 = vector.broadcast %broadcast_in_dim3A : f32 to vector<1000x32xf32>
    %concatenate3A = tpu.concatenate %add3A_9, %broadcast_in_dim3A_10 in 1 : vector<1000x128xf32>, vector<1000x32xf32> -> vector<1000x160xf32>
    %convert_element_type3A = arith.truncf %concatenate3A : vector<1000x160xf32> to vector<1000x160xbf16>
    %swap3A = arith.constant 0 : index
    %swap3A_11 = arith.constant 0 : index
    %swap3A_12 = vector.load %arg4[%swap3A, %swap3A_11] : memref<1000x160xbf16, #tpu.memory_space<vmem>>, vector<1000x160xbf16>
    tpu.vector_store %arg4[%swap3A, %swap3A_11], %convert_element_type3A {strides = array<i32>} : memref<1000x160xbf16, #tpu.memory_space<vmem>>, vector<1000x160xbf16>,
    return
  }
  func.func @transform_0(%arg0: i32) -> (i32, i32) {
    %c0_i32 = arith.constant 0 : i32
    %c0_i32_0 = arith.constant 0 : i32
    return %arg0, %c0_i32 : i32, i32
  }
  func.func @transform_1(%arg0: i32) -> (i32, i32) {
    %c0_i32 = arith.constant 0 : i32
    %c0_i32_0 = arith.constant 0 : i32
    %c0_i32_1 = arith.constant 0 : i32
    return %c0_i32, %c0_i32_0 : i32, i32
  }
  func.func @transform_2(%arg0: i32) -> (i32, i32) {
    %c0_i32 = arith.constant 0 : i32
    %c0_i32_0 = arith.constant 0 : i32
    %c0_i32_1 = arith.constant 0 : i32
    return %c0_i32, %c0_i32_0 : i32, i32
  }
  func.func @transform_3(%arg0: i32) -> (i32, i32) {
    %c0_i32 = arith.constant 0 : i32
    %c0_i32_0 = arith.constant 0 : i32
    return %arg0, %c0_i32 : i32, i32
  }
}

module attributes {stable_mosaic.version = 14 : i64} {
  func.func @_finalize_kernel(%arg0: i32, %arg1: memref<2x1000x160xbf16, #tpu.memory_space<vmem>>, %arg2: memref<1000x128xf32, #tpu.memory_space<vmem>>) attributes {dimension_semantics = [#tpu.dimension_semantics<arbitrary>], iteration_bounds = array<i64: 10>, scalar_prefetch = 0 : i64, scratch_operands = 0 : i64, tpu.core_type = #tpu.core_type<tc>, window_params = [{transform_indices = @transform_0, window_bounds = array<i64: 2, 1000, 160>}, {transform_indices = @transform_1, window_bounds = array<i64: 1000, 128>}]} {
    %get3A = arith.constant 0 : index
    %get3A_0 = arith.constant 0 : index
    %get3A_1 = arith.constant 0 : index
    %get3A_2 = vector.load %arg1[%get3A, %get3A_0, %get3A_1] : memref<2x1000x160xbf16, #tpu.memory_space<vmem>>, vector<1x1000x160xbf16>
    %get3A_3 = vector.shape_cast %get3A_2 : vector<1x1000x160xbf16> to vector<1000x160xbf16>
    %convert_element_type3A = arith.extf %get3A_3 : vector<1000x160xbf16> to vector<1000x160xf32>
    %get3A_4 = arith.constant 1 : index
    %get3A_5 = arith.constant 0 : index
    %get3A_6 = arith.constant 0 : index
    %get3A_7 = vector.load %arg1[%get3A_4, %get3A_5, %get3A_6] : memref<2x1000x160xbf16, #tpu.memory_space<vmem>>, vector<1x1000x160xbf16>
    %get3A_8 = vector.shape_cast %get3A_7 : vector<1x1000x160xbf16> to vector<1000x160xbf16>
    %convert_element_type3A_9 = arith.extf %get3A_8 : vector<1000x160xbf16> to vector<1000x160xf32>
    %add3A = arith.addf %convert_element_type3A, %convert_element_type3A_9 : vector<1000x160xf32>
    %slice3A = vector.extract_strided_slice %add3A {offsets = [0, 128], sizes = [1000, 1], strides = [1, 1]} : vector<1000x160xf32> to vector<1000x1xf32>
    %max3A = arith.constant 1.000000e+00 : f32
    %max3A_10 = vector.broadcast %max3A : f32 to vector<1000x1xf32>
    %max3A_11 = arith.maximumf %slice3A, %max3A_10 : vector<1000x1xf32>
    %slice3A_12 = vector.extract_strided_slice %add3A {offsets = [0, 0], sizes = [1000, 128], strides = [1, 1]} : vector<1000x160xf32> to vector<1000x128xf32>
    %div3A = vector.broadcast %max3A_11 : vector<1000x1xf32> to vector<1000x128xf32>
    %div3A_13 = arith.divf %slice3A_12, %div3A : vector<1000x128xf32>
    %max3A_14 = arith.constant 0.000000e+00 : f32
    %max3A_15 = vector.broadcast %max3A_14 : f32 to vector<1000x128xf32>
    %max3A_16 = arith.maximumf %div3A_13, %max3A_15 : vector<1000x128xf32>
    %swap3A = arith.constant 0 : index
    %swap3A_17 = arith.constant 0 : index
    %swap3A_18 = vector.load %arg2[%swap3A, %swap3A_17] : memref<1000x128xf32, #tpu.memory_space<vmem>>, vector<1000x128xf32>
    tpu.vector_store %arg2[%swap3A, %swap3A_17], %max3A_16 {strides = array<i32>} : memref<1000x128xf32, #tpu.memory_space<vmem>>, vector<1000x128xf32>,
    return
  }
  func.func @transform_0(%arg0: i32) -> (i32, i32, i32) {
    %c0_i32 = arith.constant 0 : i32
    %c0_i32_0 = arith.constant 0 : i32
    %c0_i32_1 = arith.constant 0 : i32
    return %c0_i32, %arg0, %c0_i32_0 : i32, i32, i32
  }
  func.func @transform_1(%arg0: i32) -> (i32, i32) {
    %c0_i32 = arith.constant 0 : i32
    %c0_i32_0 = arith.constant 0 : i32
    return %arg0, %c0_i32 : i32, i32
  }
}

</mosaic_0001>

<sc_bundles>
// kernel: kernel.5.cloned.1.call-start
scs
__scs_entry_jumppad:
0x0: {  	(pc) =	sbr.rel $0x88, $3  }
0x1: {  	(tag) =	ssettag $0x0;
	lr =	simm.s32 $0x1  }
0x2: {  	[smem:$0x3F9D] =	sst lr;
	_ =	strace $0xD0000000  }
0x3: {  	_ = 	snop  }
0x4: {  	_ = 	snop  }
0x5: {  	_ = 	snop  }
0x6: {  	_ = 	snop  }
0x7: {  	_ = 	snop  }
__scs_overlays_trampoline_lowered:
0x8: {  	[smem:$0x3FAC] =	sst s0  }
0x9: {  	[smem:$0x3FAD] =	sst s1  }
0xa: {  	[smem:$0x3FAE] =	sst s2  }
0xb: {  	[smem:$0x3FAF] =	sst s3  }
0xc: {  	[smem:$0x3FB0] =	sst s4  }
0xd: {  	[smem:$0x3FB1] =	sst s5  }
0xe: {  	[smem:$0x3FB2] =	sst s6  }
0xf: {  	[smem:$0x3FB3] =	sst s7  }
0x10: {  	[smem:$0x3FB4] =	sst s8  }
0x11: {  	[smem:$0x3FB5] =	sst s9;
	s0 =	simm.s32 @!p0 $0x0  }
0x12: {  	s1 =	sld [smem:$0x3F9B];
	s0 =	simm.s32 @p0 $0x1  }
0x13: {  	[smem:$0x3FB6] =	sst s0;
	s0 =	simm.s32 @!p1 $0x0  }
0x14: {  	s2 =	sld [smem:$0x3F9A];
	s0 =	simm.s32 @p1 $0x1  }
0x15: {  	[smem:$0x3FB7] =	sst s0;
	s0 =	simm.s32 @!p2 $0x0  }
0x16: {  	s3 =	sld [smem:$0x3FDB];
	s0 =	simm.s32 @p2 $0x1  }
0x17: {  	s4 =	simm.s32 $0x1BF5;
	[smem:$0x3FB9] =	sst s0  }
0x18: {  	s0 =	sld [smem:$0x3F9C];
	_ =	swait.ge [sflag:s4], $0x0  }
0x19: {  	s7 =	sld [smem:$0x3F9D]  }
0x1a: {  	s8 =	sadd.s32 $0xFFFFE003, lr  }
0x1b: {  	s9 =	sadd.s32 $0xFFFFFEF7, lr;
	s5 =	simm.s32 $0xFFFFFFFF;
	p2 =	slt.u32 s8, $0xFFFFF086  }
0x1c: {  	p1 =	slt.u32 s9, $0xF7A;
	s5 =	simm.s32 @!p2 $0x0  }
0x1d: {  	s5 =	simm.s32 @p1 $0x1;
	p0 =	seq.s32 s7, s2  }
0x1e: {  	s7 =	smul.u32 @!p0 $0xF7A, s2;
	p2 =	seq.s32 @!p0 s5, $0x0  }
0x1f: {  	s9 =	smul.u32 $0xF7A, s1;
	s8 =	simm.s32 @!p0 $0x1BF5;
	p2 =	por !p2, p0  }
0x20: {  	[sflag:s8] =	ssyncset.s32 @!p0 $0xFFFFF086;
	s6 =	sadd.s32 @!p0 s3, s7;
	s7 =	simm.s32 @!p0 $0x108  }
0x21: {  	s3 =	sadd.s32 s3, s9;
	s6 =	sadd.s32 @!p0 $0x88, s6;
	s7 =	simm.s32 @p2 $0x1082  }
0x22: {  	[simem:s7], [sflag:s8] =	dma.local @!p0 [hbm:s6], $0xF7A  }
0x23: {  	s9 =	sor.u32 $0xD0000000, s2;
	s6 =	simm.s32 $0x108;
	_ =	swait.ge @!p0 [sflag:s8], $0x0  }
0x24: {  	s3 =	sadd.s32 $0x88, s3;
	s6 =	simm.s32 @!p1 $0x1082;
	[sflag:s4] =	ssyncset.s32 $0xFFFFF086  }
0x25: {  	[simem:s6], [sflag:s4] =	dma.local [hbm:s3], $0xF7A  }
0x26: {  	[smem:$0x3F9D] =	sst s1;
	(tag) =	ssettag s2;
	_ =	strace s9  }
0x27: {  	s1 =	sld [smem:$0x3FAD]  }
0x28: {  	s2 =	sld [smem:$0x3FAE]  }
0x29: {  	s4 =	sld [smem:$0x3FB0]  }
0x2a: {  	p0 =	seq.s32 s5, $0x0;
	s5 =	sld [smem:$0x3FB1]  }
0x2b: {  	s6 =	sld [smem:$0x3FB2]  }
0x2c: {  	s7 =	sld [smem:$0x3FB3]  }
0x2d: {  	s3 =	simm.s32 $0x108;
	s8 =	sld [smem:$0x3FB4]  }
0x2e: {  	s3 =	simm.s32 @!p0 $0x1082;
	s9 =	sld [smem:$0x3FB5]  }
0x2f: {  	lr =	sadd.s32 s0, s3;
	s0 =	sld [smem:$0x3FAC]  }
0x30: {  	s3 =	sld [smem:$0x3FAF]  }
0x31: {  	[smem:$0x3FB8] =	sst s10  }
0x32: {  	s10 =	sld [smem:$0x3FB6];
	_ =	sdelay $0x3  }
0x33: {  	p0 =	seq.s32 s10, $0x1;
	s10 =	sld [smem:$0x3FB8];
	_ =	sdelay $0x3  }
0x34: {  	[smem:$0x3FB8] =	sst s10  }
0x35: {  	s10 =	sld [smem:$0x3FB7];
	_ =	sdelay $0x3  }
0x36: {  	p1 =	seq.s32 s10, $0x1;
	s10 =	sld [smem:$0x3FB8];
	_ =	sdelay $0x3  }
0x37: {  	[smem:$0x3FB8] =	sst s10  }
0x38: {  	s10 =	sld [smem:$0x3FB9]  }
0x39: {  	_ = 	snop;
	(pc) =	sbr.ind lr, $3  }
0x3a: {  	_ = 	snop  }
0x3b: {  	_ = 	snop  }
0x3c: {  	p2 =	seq.s32 s10, $0x1;
	s10 =	sld [smem:$0x3FB8]  }
0x3d: {  	_ =	shalt  }
0x3e: {  	_ =	shalt  }
0x3f: {  	_ =	shalt  }
0x40: {  	_ =	shalt  }
0x41: {  	_ =	shalt  }
0x42: {  	_ =	shalt  }
0x43: {  	_ =	shalt  }
0x44: {  	_ =	shalt  }
0x45: {  	_ =	shalt  }
0x46: {  	_ =	shalt  }
0x47: {  	_ =	shalt  }
0x48: {  	_ =	shalt  }
0x49: {  	_ =	shalt  }
0x4a: {  	_ =	shalt  }
0x4b: {  	_ =	shalt  }
0x4c: {  	_ =	shalt  }
0x4d: {  	_ =	shalt  }
0x4e: {  	_ =	shalt  }
0x4f: {  	_ =	shalt  }
0x50: {  	_ =	shalt  }
0x51: {  	_ =	shalt  }
0x52: {  	_ =	shalt  }
0x53: {  	_ =	shalt  }
0x54: {  	_ =	shalt  }
0x55: {  	_ =	shalt  }
0x56: {  	_ =	shalt  }
0x57: {  	_ =	shalt  }
0x58: {  	_ =	shalt  }
0x59: {  	_ =	shalt  }
0x5a: {  	_ =	shalt  }
0x5b: {  	_ =	shalt  }
0x5c: {  	_ =	shalt  }
0x5d: {  	_ =	shalt  }
0x5e: {  	_ =	shalt  }
0x5f: {  	_ =	shalt  }
0x60: {  	_ =	shalt  }
0x61: {  	_ =	shalt  }
0x62: {  	_ =	shalt  }
0x63: {  	_ =	shalt  }
0x64: {  	_ =	shalt  }
0x65: {  	_ =	shalt  }
0x66: {  	_ =	shalt  }
0x67: {  	_ =	shalt  }
0x68: {  	_ =	shalt  }
0x69: {  	_ =	shalt  }
0x6a: {  	_ =	shalt  }
0x6b: {  	_ =	shalt  }
0x6c: {  	_ =	shalt  }
0x6d: {  	_ =	shalt  }
0x6e: {  	_ =	shalt  }
0x6f: {  	_ =	shalt  }
0x70: {  	_ =	shalt  }
0x71: {  	_ =	shalt  }
0x72: {  	_ =	shalt  }
0x73: {  	_ =	shalt  }
0x74: {  	_ =	shalt  }
0x75: {  	_ =	shalt  }
0x76: {  	_ =	shalt  }
0x77: {  	_ =	shalt  }
0x78: {  	_ =	shalt  }
0x79: {  	_ =	shalt  }
0x7a: {  	_ =	shalt  }
0x7b: {  	_ =	shalt  }
0x7c: {  	_ =	shalt  }
0x7d: {  	_ =	shalt  }
0x7e: {  	_ =	shalt  }
0x7f: {  	_ =	shalt  }
0x80: {  	_ =	shalt  }
0x81: {  	_ =	shalt  }
0x82: {  	_ =	shalt  }
0x83: {  	_ =	shalt  }
0x84: {  	_ =	shalt  }
0x85: {  	_ =	shalt  }
0x86: {  	_ =	shalt  }
0x87: {  	_ =	shalt  }
.Lfunc_end0:
.L_simem_size_0:
called_computation_lowered:
.L_overlay_start_0:
0x88: {  	s2 =	sld [smem:$0x3FD9]  }
0x89: {  	s3 =	sld [smem:$0x3FFE];
	_ =	sdelay $0x1  }
0x8a: {  	s1 =	srdreg.scid  }
0x8b: {  	s0 =	sand.u32 $0x1, s1  }
0x8c: {  	s17 =	sshll.u32 s0, $0xA;
	s2 =	sadd.s32 s3, s2  }
0x8d: {  	s2 =	sadd.s32 s2, s17  }
0x8e: {  	[smem:$0x3FC4] =	sst s2  }
0x8f: {  	_ = 	snop  }
0x90: {  	s2 =	sld [smem:$0x3FD0];
	(tm) =	ssettm $0x1  }
0x91: {  	s18 =	sld [smem:$0x3FFB];
	_ =	sdelay $0x3  }
0x92: {  	_ =	strace s18  }
0x93: {  	s3 =	sld [smem:$0x3FFC];
	_ =	sdelay $0x3  }
0x94: {  	_ =	strace s3  }
0x95: {  	s3 =	sld [smem:$0x3FFD];
	_ =	sdelay $0x3  }
0x96: {  	_ =	strace s3  }
0x97: {  	_ =	strace $0x8FFFFFFF  }
0x98: {  	s19 =	sld [smem:$0x3FDB];
	_ =	sdelay $0x1  }
0x99: {  	s4 =	simm.s32 $_scs_section_size  }
0x9a: {  	s5 =	simm.s32 $_size__tile_overlayer_lowered;
	s6 =	simm.s32 $_tile_overlayer_lowered  }
0x9b: {  	s22 =	simm.s32 $0x1BFF;
	s21 =	sshll.u32 s6, $0x1;
	s3 =	sadd.s32 s4, s19  }
0x9c: {  	s7 =	simm.s32 $0x0;
	s20 =	sshll.u32 s5, $0x1;
	s5 =	sadd.s32 s21, s3  }
0x9d: {  	[timem:s7], [sflag:s22] =	dma.local [hbm:s5], s20  }
0x9e: {  	_ =	swait.ge [sflag:s22], s20  }
0x9f: {  	s4 =	ssub.s32 $0x0, s20;
	[sflag:s22] =	ssyncset.done $0x0  }
0xa0: {  	[sflag:s22] =	ssyncadd.s32 s4;
	_ =	sdelay $0x1  }
0xa1: {  	s23 =	simm.s32 $0x1B8B  }
0xa2: {  	_ =	swait.ge [sflag:s23], $0x1  }
0xa3: {  	[sflag:s23] =	ssyncset.done $0x0  }
0xa4: {  	s25 =	simm.s32 $0x1B8E;
	s24 =	sld [smem:$0x3FFE];
	[sflag:s23] =	ssyncadd.s32 $0xFFFFFFFF  }
0xa5: {  	s26 =	simm.s32 $execute0_lowered;
	[smem:$0x3FD2] =	sst s25  }
0xa6: {  	s5 =	sshll.u32 s26, $0x1;
	_ =	strace $0x80000046;
	[dreg:$0x1] =	wrdreg $0xFFFFFFFF  }
0xa7: {  	s28 =	simm.s32 $_size_execute0_lowered;
	s3 =	sadd.s32 s3, s5;
	[dreg:$0x0] =	wrdreg $0x0  }
0xa8: {  	s5 =	sshll.u32 s28, $0x1;
	[dreg:$0x2] =	wrdreg s3  }
0xa9: {  	[dreg:$0x3] =	wrdreg s5  }
0xaa: {  	[dreg:$0x4] =	wrdreg $0xC0  }
0xab: {  	_ =	task [dreg:s7], $0x5FFFF  }
0xac: {  	[dreg:$0x1] =	wrdreg $0xFFFFFFFF  }
0xad: {  	[dreg:$0x0] =	wrdreg $0x60  }
0xae: {  	[dreg:$0x2] =	wrdreg s2  }
0xaf: {  	[dreg:$0x3] =	wrdreg s24  }
0xb0: {  	[dreg:$0x4] =	wrdreg $0xEF000  }
0xb1: {  	[dreg:$0x5] =	wrdreg $0x9  }
0xb2: {  	_ =	task.clear_ibuf [dreg:s7], $0x6FFFF;
	_ =	strace $0x90000046  }
0xb3: {  	s29 =	simm.s32 $0x9;
	_ =	strace $0x80000048  }
0xb4: {  	_ =	swait.ge [sflag:s29], $0x1  }
0xb5: {  	[sflag:s29] =	ssyncadd.s32 $0xFFFFFFFF  }
0xb6: {  	_ =	strace $0x90000048  }
0xb7: {  	_ =	sfence  }
0xb8: {  	s30 =	sld [smem:$0x0];
	_ =	sdelay $0x2  }
0xb9: {  	s31 =	sshll.u32 s1, $0xD;
	s1 =	sshrl.u32 s1, $0x2  }
0xba: {  	s3 =	sand.u32 $0x4000, s31;
	s1 =	sadd.s32 s1, s30  }
0xbb: {  	s0 =	sor.u32 s3, s0;
	s1 =	sshll.u32 s1, $0x11  }
0xbc: {  	s0 =	sor.u32 s1, s0  }
0xbd: {  	s0 =	sadd.s32 $0x8F2B, s0  }
0xbe: {  	[sflag:s0] =	ssyncadd.remote.s32 $0x1  }
0xbf: {  	_ =	sfence.sel $0xFFFF  }
0xc0: {  	[dreg:$0x0] =	wrdreg $0xFFFFFFFF;
	(pc) =	sbr.abs _section_cstart, $3  }
0xc1: {  	[dreg:$0x1] =	wrdreg $0xFFFFFFFF  }
0xc2: {  	_ =	task.clear_ibuf [dreg:s7], $0x2FFFF;
	_ =	strace $0x9FFFFFFF  }
0xc3: {  	(tm) =	ssettm $0x7FFFFFFF  }
tec
execute0_lowered:
.L_overlay_start_1:
0x0: {  	(tag) =	ssettag $0x1  }
0x1: {  	s14 =	stileid.u32;
	s1 =	rddreg [dreg:$0x0]  }
0x2: {  	s2 =	srdreg.scid;
	s4 =	rddreg [dreg:$0x1]  }
0x3: {  	s15 =	simm.s32 $0x0;
	s31 =	simm.s32 $0x3;
	s0 =	smul.u32 $0x4E, s14  }
0x4: {  	s3 =	smin.u32 s14, $0x4;
	s2 =	sand.u32 $0x1, s2;
	[smem:$0x7FF] =	sst s15  }
0x5: {  	s17 =	sshll.u32 s14, $0x6;
	p1 =	slt.u32 s14, $0x4;
	s18 =	smul.u32 $0x5, s14  }
0x6: {  	s23 =	smul.u32 $0x32000, s14;
	p0 =	seq.s32 s2, $0x1;
	s6 =	ssub.s32 $0x2, s2  }
0x7: {  	s2 =	smul.u32 $0x190000, s2;
	s3 =	sadd.s32 s3, s0;
	s9 =	sshrl.u32 s6, $0x1  }
0x8: {  	s11 =	sadd.s32 $0x1, s18;
	s5 =	sadd.s32 $0x4E0, s3;
	s3 =	rddreg [dreg:$0x2]  }
0x9: {  	_ =	strace $0x80000047;
	s10 =	ssub.s32 s6, s9;
	s6 =	sadd.s32 $0x1C03, s17  }
0xa: {  	s12 =	smul.u32 $0x5000, s11;
	s0 =	smov.u32 @p0 s5;
	s5 =	sadd.s32 $0x200, s4  }
0xb: {  	p0 =	por !p0, !p1;
	s17 =	smax.u32 s10, $0x1;
	s7 =	smin.u32 s0, $0x975  }
0xc: {  	p0 =	por !p0, !p0;
	s22 =	sadd.s32 s2, s12;
	[dreg:$0xd] =	wrdreg s17  }
0xd: {  	s16 =	sshll.u32 s7, $0x4;
	s0 =	ssub.s32 s0, s7;
	s7 =	smul.u32 $0x19000, s14  }
0xe: {  	s8 =	sadd.s32 s16, s4;
	s4 =	sadd.s32 $0x14400, s4;
	s20 =	sshll.u32 s0, $0x9  }
0xf: {  	s0 =	sshll.u32 s0, $0x7;
	s19 =	sadd.s32 $0xA600, s8;
	s8 =	sadd.s32 $0x800, s8  }
0x10: {  	s9 =	sshra.s32 s20, $0x2;
	s21 =	sadd.s32 s2, s7;
	s13 =	sadd.s32 $0x2700, s0  }
0x11: {  	s24 =	sadd.s32 $0xA000, s7;
	s25 =	sadd.s32 $0xF000, s7;
	[dreg:$0x4] =	wrdreg s19  }
0x12: {  	s18 =	sadd.s32 $0x14000, s7;
	s0 =	sadd.s32 $0x4E80, s0;
	[dreg:$0x5] =	wrdreg s8  }
0x13: {  	s7 =	sshrl.u32 s7, $0x1;
	[dreg:$0x6] =	wrdreg s13;
	s8 =	sshrl.u32 s21, $0x4  }
0x14: {  	s13 =	sshrl.u32 s22, $0x4;
	s15 =	sadd.s32 s2, s24;
	s16 =	sadd.s32 s2, s25  }
0x15: {  	s2 =	sadd.s32 s2, s18;
	[dreg:$0xc] =	wrdreg s0;
	s21 =	sadd.s32 $0x14000, s23  }
0x16: {  	s22 =	sadd.s32 $0x1E000, s23;
	s7 =	sadd.s32 s7, s3;
	s24 =	sshrl.u32 s24, $0x1  }
0x17: {  	s25 =	sshrl.u32 s25, $0x1;
	s29 =	sadd.s32 $0x2780, s9;
	s30 =	sadd.s32 $0x4D80, s9  }
0x18: {  	s0 =	simm.s32 $0x100;
	s8 =	sadd.s32 s4, s8;
	s13 =	sadd.s32 s4, s13  }
0x19: {  	s15 =	sshrl.u32 s15, $0x4;
	s16 =	sshrl.u32 s16, $0x4;
	[dreg:$0x7] =	wrdreg s8  }
0x1a: {  	s2 =	sshrl.u32 s2, $0x4;
	s10 =	sshrl.u32 s22, $0x2;
	[dreg:$0x8] =	wrdreg s13  }
0x1b: {  	s15 =	sadd.s32 s4, s15;
	s26 =	sadd.s32 s4, s16;
	s2 =	sadd.s32 s4, s2  }
0x1c: {  	s16 =	smul.u32 $0xA000, s11;
	s4 =	sshrl.u32 s21, $0x2;
	[dreg:$0x9] =	wrdreg s15  }
0x1d: {  	s10 =	sadd.s32 s10, s3;
	s8 =	sadd.s32 $0x28000, s23;
	[dreg:$0xa] =	wrdreg s26  }
0x1e: {  	s13 =	sadd.s32 s25, s3;
	[dreg:$0xb] =	wrdreg s2;
	s15 =	sshrl.u32 s23, $0x2  }
0x1f: {  	s4 =	sadd.s32 s4, s3;
	s8 =	sshrl.u32 s8, $0x2;
	s23 =	sshrl.u32 s12, $0x1  }
0x20: {  	s26 =	sshrl.u32 s18, $0x1;
	s12 =	sadd.s32 s24, s3;
	s21 =	sshrl.u32 s10, $0x3  }
0x21: {  	s10 =	simm.s32 $0x2;
	s19 =	sadd.s32 s15, s3;
	s20 =	sshrl.u32 s16, $0x2  }
0x22: {  	s8 =	sadd.s32 s8, s3;
	s11 =	sadd.s32 s23, s3;
	s14 =	sadd.s32 s26, s3  }
0x23: {  	s23 =	sshrl.u32 s7, $0x3;
	s25 =	sshrl.u32 s12, $0x3;
	s26 =	sshrl.u32 s13, $0x3  }
0x24: {  	s7 =	simm.s32 $0x1;
	s2 =	sadd.s32 s20, s3;
	s18 =	sshrl.u32 s19, $0x3  }
0x25: {  	s20 =	sshrl.u32 s4, $0x3;
	s22 =	sshrl.u32 s8, $0x3;
	s24 =	sshrl.u32 s11, $0x3  }
0x26: {  	s28 =	sshrl.u32 s14, $0x3;
	s4 =	simm.s32 $0x9F00;
	s8 =	simm.s32 $0x4  }
0x27: {  	s11 =	simm.s32 $0x0;
	s19 =	sshrl.u32 s2, $0x3;
	s2 =	simm.s32 $0x4F00  }
.LBB2_1:
0x28: {  	[spmem:s18], [sflag:s6] =	dma.local [hbm:s5], $0x500  }
0x29: {  	_ =	swait.ge [sflag:s31], $0x500  }
0x2a: {  	[sflag:s31] =	ssyncset.done $0x0  }
0x2b: {  	[sflag:s31] =	ssyncadd.s32 $0xFFFFFB00  }
0x2c: {  	[spmem:s19], [sflag:s6] =	dma.local [hbm:s5], $0x500  }
0x2d: {  	_ =	swait.ge [sflag:s31], $0x500  }
0x2e: {  	[sflag:s31] =	ssyncset.done $0x0  }
0x2f: {  	[sflag:s31] =	ssyncadd.s32 $0xFFFFFB00  }
0x30: {  	[spmem:s20], [sflag:s6] =	dma.local [hbm:s5], $0x500  }
0x31: {  	_ =	swait.ge [sflag:s31], $0x500  }
0x32: {  	[sflag:s31] =	ssyncset.done $0x0  }
0x33: {  	[sflag:s31] =	ssyncadd.s32 $0xFFFFFB00  }
0x34: {  	[spmem:s21], [sflag:s6] =	dma.local [hbm:s5], $0x500  }
0x35: {  	_ =	swait.ge [sflag:s31], $0x500  }
0x36: {  	[sflag:s31] =	ssyncset.done $0x0  }
0x37: {  	[sflag:s31] =	ssyncadd.s32 $0xFFFFFB00  }
0x38: {  	[spmem:s22], [sflag:s6] =	dma.local [hbm:s5], $0x500  }
0x39: {  	_ =	swait.ge [sflag:s31], $0x500  }
0x3a: {  	[sflag:s31] =	ssyncset.done $0x0  }
0x3b: {  	s12 =	simm.s32 $0x0;
	s13 =	rddreg [dreg:$0x4];
	[sflag:s31] =	ssyncadd.s32 $0xFFFFFB00  }
0x3c: {  	[tilespmem:s12], [sflag:$0x3] =	stream.linear.gather [hbm4b:s13+s12], $0x2780, $0x38;
	[tilespmem:$0x1B700] =	vst v63  }
0x3d: {  	_ =	swait.ge [sflag:s31], $0x2780  }
0x3e: {  	[sflag:s31] =	ssyncset.done $0x0  }
0x3f: {  	s14 =	simm.s32 $0x2780;
	s17 =	rddreg [dreg:$0x5];
	[sflag:s31] =	ssyncadd.s32 $0xFFFFD880  }
0x40: {  	[tilespmem:s14], [sflag:$0x3] =	stream.linear.gather [hbm4b:s17+s12], $0x2780, $0x38;
	[tilespmem:$0x1B700] =	vst v63  }
0x41: {  	_ =	swait.ge [sflag:s31], $0x2780  }
0x42: {  	[sflag:s31] =	ssyncset.done $0x0  }
0x43: {  	[sflag:s31] =	ssyncadd.s32 $0xFFFFD880  }
0x44: {  	s14 =	sadd.s32 $0x0, s9;
	[bflag:$0x0] =	sbarrier.arrive $0xFFFF  }
0x45: {  	[tilespmem:s2], [sflag:$0x1] =	stream.indirect.gather [hbm4b:s1+s0], $0x50, s9, s0, $0xb8;
	[tilespmem:$0x1B700] =	vst v63  }
0x46: {  	s15 =	sadd.s32 $0x100, s14  }
0x47: {  	[tilespmem:s4], [sflag:$0x2] =	stream.indirect.gather [hbm4b:s1+s0], $0x50, s15, s0, $0xb8;
	[tilespmem:$0x1B700] =	vst v63  }
0x48: {  	_ =	swait.ge [sflag:s7], $0x5000  }
0x49: {  	[sflag:s7] =	ssyncset.done $0x0  }
0x4a: {  	s16 =	sadd.s32 $0x0, s29;
	[sflag:s7] =	ssyncadd.s32 $0xFFFFB000  }
0x4b: {  	[spmem:s3] =	stream.indirect.scatter.add.bf16 [tilespmem:s2], [sflag:$0x4], $0x50, s16, s0, $0xb8;
	[tilespmem:$0x1B700] =	vst v63  }
0x4c: {  	_ =	swait.ge [sflag:s8], $0x5000  }
0x4d: {  	[sflag:s8] =	ssyncset.done $0x0  }
0x4e: {  	s12 =	sadd.s32 $0x200, s14;
	[sflag:s8] =	ssyncadd.s32 $0xFFFFB000  }
0x4f: {  	[tilespmem:s2], [sflag:$0x1] =	stream.indirect.gather [hbm4b:s1+s0], $0x50, s12, s0, $0xb8;
	[tilespmem:$0x1B700] =	vst v63  }
0x50: {  	_ =	swait.ge [sflag:s10], $0x5000  }
0x51: {  	[sflag:s10] =	ssyncset.done $0x0  }
0x52: {  	s17 =	sadd.s32 $0x100, s16;
	[sflag:s10] =	ssyncadd.s32 $0xFFFFB000  }
0x53: {  	[spmem:s3] =	stream.indirect.scatter.add.bf16 [tilespmem:s4], [sflag:$0x3], $0x50, s17, s0, $0xb8;
	[tilespmem:$0x1B700] =	vst v63  }
0x54: {  	s13 =	simm.s32 $0x200;
	_ =	swait.ge [sflag:s31], $0x5000  }
0x55: {  	s14 =	simm.s32 $0x1000;
	s12 =	sadd.s32 $0x200, s9;
	[sflag:s31] =	ssyncset.done $0x0  }
.LBB2_2:
0x56: {  	s15 =	sadd.s32 $0x100, s12  }
0x57: {  	[sflag:s31] =	ssyncadd.s32 $0xFFFFB000;
	s16 =	smov.u32 s14;
	s17 =	sadd.s32 $0x800, s14  }
0x58: {  	[tilespmem:s4], [sflag:$0x2] =	stream.indirect.gather [hbm4b:s1+s0], $0x50, s15, s0, $0xb8;
	[tilespmem:$0x1B700] =	vst v63  }
0x59: {  	p1 =	seq.s32 s14, $0x9000;
	_ =	swait.ge [sflag:s7], $0x5000  }
0x5a: {  	[sflag:s7] =	ssyncset.done $0x0  }
0x5b: {  	s13 =	sadd.s32 s13, s29;
	[sflag:s7] =	ssyncadd.s32 $0xFFFFB000  }
0x5c: {  	[spmem:s3] =	stream.indirect.scatter.add.bf16 [tilespmem:s2], [sflag:$0x4], $0x50, s13, s0, $0xb8;
	[tilespmem:$0x1B700] =	vst v63  }
0x5d: {  	_ =	swait.ge [sflag:s8], $0x5000  }
0x5e: {  	[sflag:s8] =	ssyncset.done $0x0  }
0x5f: {  	s12 =	sadd.s32 $0x200, s12;
	[sflag:s8] =	ssyncadd.s32 $0xFFFFB000  }
0x60: {  	[tilespmem:s2], [sflag:$0x1] =	stream.indirect.gather [hbm4b:s1+s0], $0x50, s12, s0, $0xb8;
	[tilespmem:$0x1B700] =	vst v63  }
0x61: {  	_ =	swait.ge [sflag:s10], $0x5000  }
.Ltmp0:
0x62: {  	[sflag:s10] =	ssyncset.done $0x0;
	(pc) =	sbr.rel @!p1 .LBB2_2-.Ltmp0, $4  }
0x63: {  	s12 =	sadd.s32 $0x100, s13;
	[sflag:s10] =	ssyncadd.s32 $0xFFFFB000  }
0x64: {  	[spmem:s3] =	stream.indirect.scatter.add.bf16 [tilespmem:s4], [sflag:$0x3], $0x50, s12, s0, $0xb8;
	[tilespmem:$0x1B700] =	vst v63  }
0x65: {  	s13 =	sshra.s32 s16, $0x2;
	_ =	swait.ge [sflag:s31], $0x5000  }
0x66: {  	s14 =	smov.u32 s17;
	s12 =	sadd.s32 s13, s9;
	[sflag:s31] =	ssyncset.done $0x0  }
0x67: {  	s14 =	sadd.s32 $0x100, s12;
	[sflag:s31] =	ssyncadd.s32 $0xFFFFB000  }
0x68: {  	[tilespmem:s4], [sflag:$0x2] =	stream.indirect.gather [hbm4b:s1+s0], $0x50, s14, s0, $0xb8;
	[tilespmem:$0x1B700] =	vst v63  }
0x69: {  	_ =	swait.ge [sflag:s7], $0x5000  }
0x6a: {  	[sflag:s7] =	ssyncset.done $0x0  }
0x6b: {  	s13 =	sadd.s32 s13, s29;
	[sflag:s7] =	ssyncadd.s32 $0xFFFFB000  }
0x6c: {  	[spmem:s3] =	stream.indirect.scatter.add.bf16 [tilespmem:s2], [sflag:$0x4], $0x50, s13, s0, $0xb8;
	[tilespmem:$0x1B700] =	vst v63  }
0x6d: {  	_ =	swait.ge [sflag:s8], $0x5000  }
0x6e: {  	[sflag:s8] =	ssyncset.done $0x0  }
0x6f: {  	s15 =	sadd.s32 $0x200, s12;
	[sflag:s8] =	ssyncadd.s32 $0xFFFFB000  }
0x70: {  	[tilespmem:s2], [sflag:$0x1] =	stream.indirect.gather [hbm4b:s1+s0], $0x50, s15, s0, $0xb8;
	[tilespmem:$0x1B700] =	vst v63  }
0x71: {  	_ =	swait.ge [sflag:s10], $0x5000  }
0x72: {  	[sflag:s10] =	ssyncset.done $0x0  }
0x73: {  	s16 =	sadd.s32 $0x100, s13;
	[sflag:s10] =	ssyncadd.s32 $0xFFFFB000  }
0x74: {  	[spmem:s3] =	stream.indirect.scatter.add.bf16 [tilespmem:s4], [sflag:$0x3], $0x50, s16, s0, $0xb8;
	[tilespmem:$0x1B700] =	vst v63  }
0x75: {  	_ =	swait.ge [sflag:s31], $0x5000  }
0x76: {  	[sflag:s31] =	ssyncset.done $0x0  }
0x77: {  	[sflag:s31] =	ssyncadd.s32 $0xFFFFB000  }
0x78: {  	_ =	swait.ge [sflag:s7], $0x5000  }
0x79: {  	[sflag:s7] =	ssyncset.done $0x0  }
0x7a: {  	[sflag:s7] =	ssyncadd.s32 $0xFFFFB000  }
0x7b: {  	[spmem:s3] =	stream.indirect.scatter.add.bf16 [tilespmem:s2], [sflag:$0x4], $0x50, s30, s0, $0xb8;
	[tilespmem:$0x1B700] =	vst v63  }
0x7c: {  	_ =	swait.ge [sflag:s8], $0x5000  }
0x7d: {  	s12 =	simm.s32 @p0 $0x80;
	[sflag:s8] =	ssyncset.done $0x0  }
0x7e: {  	s13 =	simm.s32 @p0 $0x4F00;
	s14 =	rddreg [dreg:$0x6];
	[sflag:s8] =	ssyncadd.s32 $0xFFFFB000  }
0x7f: {  	[tilespmem:s13], [sflag:$0x1] =	stream.indirect.gather @p0 [hbm4b:s1+s12], $0x50, s14, s12, $0xb8;
	[tilespmem:$0x1B700] =	vst v63  }
0x80: {  	s14 =	simm.s32 @p0 $0x1  }
0x81: {  	_ =	swait.ge @p0 [sflag:s14], $0x2800  }
0x82: {  	[sflag:s14] =	ssyncset.done @p0 $0x0  }
0x83: {  	[sflag:s14] =	ssyncadd.s32 @p0 $0xFFFFD800;
	s14 =	rddreg [dreg:$0xc]  }
0x84: {  	[spmem:s3] =	stream.indirect.scatter.add.bf16 @p0 [tilespmem:s13], [sflag:$0x3], $0x50, s14, s12, $0xb8;
	[tilespmem:$0x1B700] =	vst v63  }
0x85: {  	s12 =	simm.s32 @p0 $0x3  }
0x86: {  	_ =	swait.ge @p0 [sflag:s12], $0x2800  }
0x87: {  	[sflag:s12] =	ssyncset.done @p0 $0x0  }
0x88: {  	[sflag:s12] =	ssyncadd.s32 @p0 $0xFFFFD800  }
0x89: {  	[bflag:$0x0] =	sbarrier.arrive $0xFFFF  }
0x8a: {  	s17 =	rddreg [dreg:$0x7]  }
0x8b: {  	[hbm:s17], [sflag:s6] =	dma.local [spmem:s23], $0x500  }
0x8c: {  	_ =	swait.ge [sflag:s31], $0x500  }
0x8d: {  	[sflag:s31] =	ssyncset.done $0x0  }
0x8e: {  	s13 =	rddreg [dreg:$0x8];
	[sflag:s31] =	ssyncadd.s32 $0xFFFFFB00  }
0x8f: {  	[hbm:s13], [sflag:s6] =	dma.local [spmem:s24], $0x500  }
0x90: {  	_ =	swait.ge [sflag:s31], $0x500  }
0x91: {  	[sflag:s31] =	ssyncset.done $0x0  }
0x92: {  	s14 =	rddreg [dreg:$0x9];
	[sflag:s31] =	ssyncadd.s32 $0xFFFFFB00  }
0x93: {  	[hbm:s14], [sflag:s6] =	dma.local [spmem:s25], $0x500  }
0x94: {  	_ =	swait.ge [sflag:s31], $0x500  }
0x95: {  	[sflag:s31] =	ssyncset.done $0x0  }
0x96: {  	s15 =	rddreg [dreg:$0xa];
	[sflag:s31] =	ssyncadd.s32 $0xFFFFFB00  }
0x97: {  	[hbm:s15], [sflag:s6] =	dma.local [spmem:s26], $0x500  }
0x98: {  	_ =	swait.ge [sflag:s31], $0x500  }
0x99: {  	[sflag:s31] =	ssyncset.done $0x0  }
0x9a: {  	s16 =	rddreg [dreg:$0xb];
	[sflag:s31] =	ssyncadd.s32 $0xFFFFFB00  }
0x9b: {  	[hbm:s16], [sflag:s6] =	dma.local [spmem:s28], $0x500  }
0x9c: {  	_ =	swait.ge [sflag:s31], $0x500  }
0x9d: {  	s11 =	sadd.s32 $0x1, s11;
	s17 =	rddreg [dreg:$0xd]  }
0x9e: {  	p1 =	sne.s32 s11, s17  }
.Ltmp1:
0x9f: {  	_ = 	snop;
	(pc) =	sbr.rel @p1 .LBB2_1-.Ltmp1, $3  }
0xa0: {  	_ =	sdelay $0x1  }
0xa1: {  	[sflag:s31] =	ssyncset.done $0x0  }
0xa2: {  	[sflag:s31] =	ssyncadd.s32 $0xFFFFFB00  }
0xa3: {  	_ =	sfence.sel $0x180000  }
0xa4: {  	[bflag:$0x0] =	sbarrier.arrive $0xFFFF  }
0xa5: {  	_ =	strace $0x90000047  }
0xa6: {  	s0 =	stileid.u32;
	[bflag:$0x2] =	sbarrier.arrive $0xFFFF  }
0xa7: {  	p0 =	sne.s32 s0, $0x0;
	s0 =	rddreg [dreg:$0x3]  }
0xa8: {  	s0 =	sadd.s32 @!p0 $0x100000, s0  }
0xa9: {  	[sflag:s0] =	ssyncadd.tile.s32 @!p0 $0x1;
	_ =	shalt  }
.Lfunc_end2:
_tile_overlayer_lowered:
.L_overlay_start_2:
0xaa: {  	(tag) =	ssettag $0x2  }
0xab: {  	s0 =	rddreg [dreg:$0x0];
	s2 =	stileid.u32  }
0xac: {  	s1 =	rddreg [dreg:$0x1];
	p0 =	sne.s32 s2, $0x0  }
0xad: {  	s3 =	rddreg [dreg:$0x2];
	[bflag:$0x3] =	sbarrier.arrive $0xFFFF;
	s2 =	simm.s32 @!p0 $0x1C03  }
0xae: {  	[timem:s3], [sflag:s2] =	dma.local @!p0 [hbm:s0], s1  }
0xaf: {  	s0 =	simm.s32 @!p0 $0x3  }
0xb0: {  	_ =	swait.ge @!p0 [sflag:s0], s1  }
0xb1: {  	s1 =	ssub.s32 @!p0 $0x0, s1;
	[sflag:s0] =	ssyncset.done @!p0 $0x0  }
0xb2: {  	[sflag:s0] =	ssyncadd.s32 @!p0 s1  }
0xb3: {  	[bflag:$0x3] =	sbarrier.arrive $0xFFFF  }
0xb4: {  	_ =	shalt  }

</sc_bundles>
